<compile_context>
chip_gen: v7x
topology: tpu7x:2x2x1
jax: 0.10.2.dev20260603
libtpu: 0.0.44.dev20260713+nightly
codegen_flags: <defaults>
</compile_context>

<pallas_src>
import functools

import jax
import jax.numpy as jnp
from jax import lax
from jax.experimental import pallas as pl
from jax.experimental.pallas import tpu as pltpu
from jax.experimental.pallas import tpu_sc as plsc

N_NODES = 10000
N_EDGES = 320000
D_IN = 128
D_HID = 128
N_CLASSES = 64

NCORES = 2
NTILES = 16
NW = NCORES * NTILES
NP = 10240
SLAB = NP // NTILES
CH = 128
KBUF = 2
NCH = 80
NG = NCH // KBUF
DEGK = 5
EPW = NCH * CH
E_PAD = EPW * NW
RB = 2048
DW = 128

_mesh = plsc.VectorSubcoreMesh(core_axis_name="c", subcore_axis_name="s")


def _make_sc_agg(d):

    def body(y_hbm, src_hbm, dst_hbm, zeros_hbm, out_hbm,
             acc, sidx, didx, rows, gsem, ssem):
        c = lax.axis_index("c")
        s = lax.axis_index("s")
        wid = s * NCORES + c
        pltpu.sync_copy(src_hbm.at[pl.ds(wid * NCH, NCH)], sidx)
        pltpu.sync_copy(dst_hbm.at[pl.ds(wid * NCH, NCH)], didx)
        pltpu.sync_copy(zeros_hbm, acc.at[pl.ds(s * SLAB, SLAB)])
        plsc.subcore_barrier()

        def step(j, carry):
            pltpu.async_copy(y_hbm.at[c].at[sidx.at[j]], rows, gsem).wait()
            pltpu.async_copy(rows, acc.at[didx.at[j]], ssem, add=True).wait()
            return carry

        lax.fori_loop(0, NCH, step, 0)
        plsc.subcore_barrier()
        pltpu.sync_copy(acc.at[pl.ds(s * SLAB, SLAB)],
                        out_hbm.at[c, pl.ds(s * SLAB, SLAB)])

    return pl.kernel(
        body,
        out_type=jax.ShapeDtypeStruct((NCORES, NP, d), jnp.float32),
        mesh=_mesh,
        scratch_types=[
            pltpu.VMEM_SHARED((NP, d), jnp.float32),
            pltpu.VMEM((NCH, CH), jnp.int32),
            pltpu.VMEM((NCH, CH), jnp.int32),
            pltpu.VMEM((CH, d), jnp.float32),
            pltpu.SemaphoreType.DMA,
            pltpu.SemaphoreType.DMA,
        ],
    )


def _make_sc_deg():

    def body(dst_hbm, ones_hbm, zeros_hbm, out_hbm, acc, didx, ones_v, ssem):
        c = lax.axis_index("c")
        s = lax.axis_index("s")
        wid = s * NCORES + c
        pltpu.sync_copy(dst_hbm.at[pl.ds(wid * NCH, NCH)], didx)
        pltpu.sync_copy(zeros_hbm, acc.at[pl.ds(s * SLAB, SLAB)])
        pltpu.sync_copy(ones_hbm, ones_v)
        plsc.subcore_barrier()

        def group(g, carry):
            j0 = g * DEGK
            scatters = [
                pltpu.async_copy(ones_v, acc.at[didx.at[j0 + b]],
                                 ssem.at[b], add=True)
                for b in range(DEGK)
            ]
            for sc in scatters:
                sc.wait()
            return carry

        lax.fori_loop(0, NCH // DEGK, group, 0)
        plsc.subcore_barrier()
        pltpu.sync_copy(acc.at[pl.ds(s * SLAB, SLAB)],
                        out_hbm.at[c, pl.ds(s * SLAB, SLAB)])

    return pl.kernel(
        body,
        out_type=jax.ShapeDtypeStruct((NCORES, NP, DW), jnp.float32),
        mesh=_mesh,
        scratch_types=[
            pltpu.VMEM_SHARED((NP, DW), jnp.float32),
            pltpu.VMEM((NCH, CH), jnp.int32),
            pltpu.VMEM((CH, DW), jnp.float32),
            pltpu.SemaphoreType.DMA((DEGK,)),
        ],
    )


def _tc_linear(x, wl_t, wr_t, b):
    n, din = x.shape
    dout = wl_t.shape[1]

    def body(x_ref, wl_ref, wr_ref, b_ref, y_ref, s_ref):
        xb = x_ref[...]
        y = jnp.dot(xb, wl_ref[...], preferred_element_type=jnp.float32)
        y_ref[...] = jnp.broadcast_to(y[None], (NCORES,) + y.shape)
        s_ref[...] = (jnp.dot(xb, wr_ref[...], preferred_element_type=jnp.float32)
                      + b_ref[...])

    return pl.pallas_call(
        body,
        grid=(n // RB,),
        in_specs=[
            pl.BlockSpec((RB, din), lambda i: (i, 0)),
            pl.BlockSpec((din, dout), lambda i: (0, 0)),
            pl.BlockSpec((din, dout), lambda i: (0, 0)),
            pl.BlockSpec((1, dout), lambda i: (0, 0)),
        ],
        out_specs=[
            pl.BlockSpec((NCORES, RB, dout), lambda i: (0, i, 0)),
            pl.BlockSpec((RB, dout), lambda i: (i, 0)),
        ],
        out_shape=[
            jax.ShapeDtypeStruct((NCORES, n, dout), jnp.float32),
            jax.ShapeDtypeStruct((n, dout), jnp.float32),
        ],
    )(x, wl_t, wr_t, b)


def _tc_combine_project(agg, deg, s_in, wl_t, wr_t, b):
    n, d = s_in.shape
    dout = wl_t.shape[1]

    def body(agg_ref, deg_ref, s_ref, wl_ref, wr_ref, b_ref, y_ref, s2_ref):
        a = agg_ref[0] + agg_ref[1]
        dg = deg_ref[0][:, 0:1] + deg_ref[1][:, 0:1]
        inv = 1.0 / jnp.maximum(dg, 1.0)
        h = jnp.maximum(a * inv + s_ref[...], 0.0)
        y = jnp.dot(h, wl_ref[...], preferred_element_type=jnp.float32)
        y_ref[...] = jnp.broadcast_to(y[None], (NCORES,) + y.shape)
        s2_ref[...] = (jnp.dot(h, wr_ref[...], preferred_element_type=jnp.float32)
                       + b_ref[...])

    return pl.pallas_call(
        body,
        grid=(n // RB,),
        in_specs=[
            pl.BlockSpec((NCORES, RB, d), lambda i: (0, i, 0)),
            pl.BlockSpec((NCORES, RB, DW), lambda i: (0, i, 0)),
            pl.BlockSpec((RB, d), lambda i: (i, 0)),
            pl.BlockSpec((d, dout), lambda i: (0, 0)),
            pl.BlockSpec((d, dout), lambda i: (0, 0)),
            pl.BlockSpec((1, dout), lambda i: (0, 0)),
        ],
        out_specs=[
            pl.BlockSpec((NCORES, RB, dout), lambda i: (0, i, 0)),
            pl.BlockSpec((RB, dout), lambda i: (i, 0)),
        ],
        out_shape=[
            jax.ShapeDtypeStruct((NCORES, n, dout), jnp.float32),
            jax.ShapeDtypeStruct((n, dout), jnp.float32),
        ],
    )(agg, deg, s_in, wl_t, wr_t, b)


def _tc_combine_logsoftmax(agg, deg, s_in):
    n, d = s_in.shape

    def body(agg_ref, deg_ref, s_ref, o_ref):
        a = agg_ref[0] + agg_ref[1]
        dg = deg_ref[0][:, 0:1] + deg_ref[1][:, 0:1]
        inv = 1.0 / jnp.maximum(dg, 1.0)
        z = (a * inv + s_ref[...])[:, :N_CLASSES]
        z = z - jnp.max(z, axis=1, keepdims=True)
        o_ref[...] = z - jnp.log(jnp.sum(jnp.exp(z), axis=1, keepdims=True))

    return pl.pallas_call(
        body,
        grid=(n // RB,),
        in_specs=[
            pl.BlockSpec((NCORES, RB, d), lambda i: (0, i, 0)),
            pl.BlockSpec((NCORES, RB, DW), lambda i: (0, i, 0)),
            pl.BlockSpec((RB, d), lambda i: (i, 0)),
        ],
        out_specs=pl.BlockSpec((RB, N_CLASSES), lambda i: (i, 0)),
        out_shape=jax.ShapeDtypeStruct((n, N_CLASSES), jnp.float32),
    )(agg, deg, s_in)


_sc_agg_hid = _make_sc_agg(D_HID)
_sc_deg = _make_sc_deg()


def kernel(x, edge_index, W1_l, b1, W1_r, W2_l, b2, W2_r, W3_l, b3, W3_r):
    x = x.astype(jnp.float32)
    src = edge_index[0].astype(jnp.int32)
    dst = edge_index[1].astype(jnp.int32)
    src_p = jnp.concatenate(
        [src, jnp.zeros((E_PAD - N_EDGES,), jnp.int32)]).reshape(-1, CH)
    dst_p = jnp.concatenate(
        [dst, jnp.full((E_PAD - N_EDGES,), N_NODES, jnp.int32)]).reshape(-1, CH)
    x_p = jnp.pad(x, ((0, NP - N_NODES), (0, 0)))

    zeros_hid = jnp.zeros((SLAB, D_HID), jnp.float32)
    zeros_deg = jnp.zeros((SLAB, DW), jnp.float32)
    ones_deg = jnp.ones((CH, DW), jnp.float32)

    W3_l_t = jnp.pad(W3_l.T, ((0, 0), (0, D_HID - N_CLASSES)))
    W3_r_t = jnp.pad(W3_r.T, ((0, 0), (0, D_HID - N_CLASSES)))
    b3_p = jnp.pad(b3[None, :], ((0, 0), (0, D_HID - N_CLASSES)))

    deg = _sc_deg(dst_p, ones_deg, zeros_deg)

    y1, s1 = _tc_linear(x_p, W1_l.T, W1_r.T, b1[None, :])
    agg1 = _sc_agg_hid(y1, src_p, dst_p, zeros_hid)
    y2, s2 = _tc_combine_project(agg1, deg, s1, W2_l.T, W2_r.T, b2[None, :])
    agg2 = _sc_agg_hid(y2, src_p, dst_p, zeros_hid)
    y3, s3 = _tc_combine_project(agg2, deg, s2, W3_l_t, W3_r_t, b3_p)
    agg3 = _sc_agg_hid(y3, src_p, dst_p, zeros_hid)
    out = _tc_combine_logsoftmax(agg3, deg, s3)
    return out[:N_NODES]

# --- scband reference (transcript-rebuilt; emitter-appended) ---
"""Pipeline reference for scband-graph-sageclassifier-4569845203118 (READ-ONLY COPY).

The authoritative reference and input builder live on the scoring server;
editing this copy changes nothing except your own understanding.
"""

import jax, jax.numpy as jnp
import numpy as np

N_NODES = 10000
N_EDGES = 320000
D_IN = 128
D_HID = 128
N_CLASSES = 64


def setup_inputs(seed: int = 0) -> dict:
    key = jax.random.key(seed)
    ks = jax.random.split(key, 12)
    x = jax.random.normal(ks[0], (N_NODES, D_IN), dtype=jnp.float32)
    edge_index = jax.random.randint(ks[1], (2, N_EDGES), 0, N_NODES, dtype=jnp.int64)
    s_in = 1.0 / np.sqrt(D_IN)
    s_hid = 1.0 / np.sqrt(D_HID)
    W1_l = jax.random.uniform(ks[2], (D_HID, D_IN), jnp.float32, -s_in, s_in)
    b1 = jax.random.uniform(ks[3], (D_HID,), jnp.float32, -s_in, s_in)
    W1_r = jax.random.uniform(ks[4], (D_HID, D_IN), jnp.float32, -s_in, s_in)
    W2_l = jax.random.uniform(ks[5], (D_HID, D_HID), jnp.float32, -s_hid, s_hid)
    b2 = jax.random.uniform(ks[6], (D_HID,), jnp.float32, -s_hid, s_hid)
    W2_r = jax.random.uniform(ks[7], (D_HID, D_HID), jnp.float32, -s_hid, s_hid)
    W3_l = jax.random.uniform(ks[8], (N_CLASSES, D_HID), jnp.float32, -s_hid, s_hid)
    b3 = jax.random.uniform(ks[9], (N_CLASSES,), jnp.float32, -s_hid, s_hid)
    W3_r = jax.random.uniform(ks[10], (N_CLASSES, D_HID), jnp.float32, -s_hid, s_hid)
    return {"x": x, "edge_index": edge_index, "W1_l": W1_l, "b1": b1, "W1_r": W1_r,
            "W2_l": W2_l, "b2": b2, "W2_r": W2_r, "W3_l": W3_l, "b3": b3, "W3_r": W3_r}


def _sage_conv(x, src, dst, W_l, b, W_r):
    # PyG SAGEConv with mean aggregation:
    # out = lin_l(mean_{j in N(i)} x_j) + lin_r(x_i)
    msg = jnp.take(x, src, axis=0)
    agg = jax.ops.segment_sum(msg, dst, num_segments=N_NODES)
    deg = jax.ops.segment_sum(jnp.ones((msg.shape[0],), dtype=x.dtype), dst, num_segments=N_NODES)
    mean = agg / jnp.clip(deg, 1.0)[:, None]
    return mean @ W_l.T + b + x @ W_r.T


def reference(x, edge_index, W1_l, b1, W1_r, W2_l, b2, W2_r, W3_l, b3, W3_r):
    src = edge_index[0]
    dst = edge_index[1]
    h = jax.nn.relu(_sage_conv(x, src, dst, W1_l, b1, W1_r))
    # dropout is identity at inference
    h = jax.nn.relu(_sage_conv(h, src, dst, W2_l, b2, W2_r))
    h = _sage_conv(h, src, dst, W3_l, b3, W3_r)
    return jax.nn.log_softmax(h, axis=1)

if __name__ == "__main__":
    import jax
    _d = setup_inputs()
    print(jax.jit(kernel)(*tuple(_d.values())))

</pallas_src>

<mosaic_0001>
#map = affine_map<(d0, d1) -> (0, 0, 0)>
#map1 = affine_map<(d0, d1) -> (0, 0)>
module attributes {stable_mosaic.version = 14 : i64} {
  func.func @body(%arg0: i32, %arg1: i32, %arg2: memref<2x10240x128xf32, #tpu.memory_space<hbm>>, %arg3: memref<2560x128xi32, #tpu.memory_space<hbm>>, %arg4: memref<2560x128xi32, #tpu.memory_space<hbm>>, %arg5: memref<640x128xf32, #tpu.memory_space<hbm>>, %arg6: memref<2x10240x128xf32, #tpu.memory_space<hbm>>, %arg7: memref<10240x128xf32, #tpu.memory_space<vmem_shared>>, %arg8: memref<80x128xi32, #tpu.memory_space<vmem>>, %arg9: memref<80x128xi32, #tpu.memory_space<vmem>>, %arg10: memref<128x128xf32, #tpu.memory_space<vmem>>, %arg11: memref<!tpu.dma_semaphore, #tpu.memory_space<semaphore_mem>>, %arg12: memref<!tpu.dma_semaphore, #tpu.memory_space<semaphore_mem>>) attributes {dimension_semantics = [#tpu.dimension_semantics<core_parallel>, #tpu.dimension_semantics<subcore_parallel>], iteration_bounds = array<i64: 2, 16>, scalar_prefetch = 0 : i64, scratch_operands = 6 : i64, tpu.core_type = #tpu.core_type<sc_vector_subcore>, window_params = [{transform_indices = #map}, {transform_indices = #map1}, {transform_indices = #map1}, {transform_indices = #map1}, {transform_indices = #map}]} {
    %mul3A = arith.constant 2 : i32
    %mul3A_0 = arith.muli %arg1, %mul3A : i32
    %add3A = arith.addi %mul3A_0, %arg0 : i32
    %mul3A_1 = arith.constant 80 : i32
    %mul3A_2 = arith.muli %add3A, %mul3A_1 : i32
    "tpu.region"() ({
      %run_scoped3A = tpu.sem_alloc : memref<!tpu.dma_semaphore, #tpu.memory_space<semaphore_mem>>
      %dma_start3A = arith.constant 0 : i32
      %dma_start3A_17 = tpu.memref_slice %arg3[%mul3A_2, %dma_start3A] : memref<2560x128xi32, #tpu.memory_space<hbm>> -> memref<80x128xi32, #tpu.memory_space<hbm>>
      %dma_start3A_18 = arith.constant 0 : i32
      %dma_start3A_19 = tpu.memref_slice %arg3[%mul3A_2, %dma_start3A_18] : memref<2560x128xi32, #tpu.memory_space<hbm>> -> memref<80x128xi32, #tpu.memory_space<hbm>>
      tpu.enqueue_dma source(%dma_start3A_19 : memref<80x128xi32, #tpu.memory_space<hbm>>) target(%arg8 : memref<80x128xi32, #tpu.memory_space<vmem>>) target_semaphore(%run_scoped3A : memref<!tpu.dma_semaphore, #tpu.memory_space<semaphore_mem>>)
      %dma_wait3A = arith.constant 0 : i32
      %dma_wait3A_20 = tpu.memref_slice %arg3[%mul3A_2, %dma_wait3A] : memref<2560x128xi32, #tpu.memory_space<hbm>> -> memref<80x128xi32, #tpu.memory_space<hbm>>
      %dma_wait3A_21 = arith.constant 0 : i32
      %dma_wait3A_22 = tpu.memref_slice %arg3[%mul3A_2, %dma_wait3A_21] : memref<2560x128xi32, #tpu.memory_space<hbm>> -> memref<80x128xi32, #tpu.memory_space<hbm>>
      tpu.wait_dma2 semaphore(%run_scoped3A : memref<!tpu.dma_semaphore, #tpu.memory_space<semaphore_mem>>) src(%dma_wait3A_22 : memref<80x128xi32, #tpu.memory_space<hbm>>) dst(%arg8 : memref<80x128xi32, #tpu.memory_space<vmem>>)
      tpu.yield
    }) : () -> ()
    %mul3A_3 = arith.constant 80 : i32
    %mul3A_4 = arith.muli %add3A, %mul3A_3 : i32
    "tpu.region"() ({
      %run_scoped3A = tpu.sem_alloc : memref<!tpu.dma_semaphore, #tpu.memory_space<semaphore_mem>>
      %dma_start3A = arith.constant 0 : i32
      %dma_start3A_17 = tpu.memref_slice %arg4[%mul3A_4, %dma_start3A] : memref<2560x128xi32, #tpu.memory_space<hbm>> -> memref<80x128xi32, #tpu.memory_space<hbm>>
      %dma_start3A_18 = arith.constant 0 : i32
      %dma_start3A_19 = tpu.memref_slice %arg4[%mul3A_4, %dma_start3A_18] : memref<2560x128xi32, #tpu.memory_space<hbm>> -> memref<80x128xi32, #tpu.memory_space<hbm>>
      tpu.enqueue_dma source(%dma_start3A_19 : memref<80x128xi32, #tpu.memory_space<hbm>>) target(%arg9 : memref<80x128xi32, #tpu.memory_space<vmem>>) target_semaphore(%run_scoped3A : memref<!tpu.dma_semaphore, #tpu.memory_space<semaphore_mem>>)
      %dma_wait3A = arith.constant 0 : i32
      %dma_wait3A_20 = tpu.memref_slice %arg4[%mul3A_4, %dma_wait3A] : memref<2560x128xi32, #tpu.memory_space<hbm>> -> memref<80x128xi32, #tpu.memory_space<hbm>>
      %dma_wait3A_21 = arith.constant 0 : i32
      %dma_wait3A_22 = tpu.memref_slice %arg4[%mul3A_4, %dma_wait3A_21] : memref<2560x128xi32, #tpu.memory_space<hbm>> -> memref<80x128xi32, #tpu.memory_space<hbm>>
      tpu.wait_dma2 semaphore(%run_scoped3A : memref<!tpu.dma_semaphore, #tpu.memory_space<semaphore_mem>>) src(%dma_wait3A_22 : memref<80x128xi32, #tpu.memory_space<hbm>>) dst(%arg9 : memref<80x128xi32, #tpu.memory_space<vmem>>)
      tpu.yield
    }) : () -> ()
    %mul3A_5 = arith.constant 640 : i32
    %mul3A_6 = arith.muli %arg1, %mul3A_5 : i32
    "tpu.region"() ({
      %run_scoped3A = tpu.sem_alloc : memref<!tpu.dma_semaphore, #tpu.memory_space<semaphore_mem>>
      %dma_start3A = arith.constant 0 : i32
      %dma_start3A_17 = tpu.memref_slice %arg7[%mul3A_6, %dma_start3A] : memref<10240x128xf32, #tpu.memory_space<vmem_shared>> -> memref<640x128xf32, #tpu.memory_space<vmem_shared>>
      tpu.enqueue_dma source(%arg5 : memref<640x128xf32, #tpu.memory_space<hbm>>) target(%dma_start3A_17 : memref<640x128xf32, #tpu.memory_space<vmem_shared>>) target_semaphore(%run_scoped3A : memref<!tpu.dma_semaphore, #tpu.memory_space<semaphore_mem>>)
      %dma_wait3A = arith.constant 0 : i32
      %dma_wait3A_18 = tpu.memref_slice %arg7[%mul3A_6, %dma_wait3A] : memref<10240x128xf32, #tpu.memory_space<vmem_shared>> -> memref<640x128xf32, #tpu.memory_space<vmem_shared>>
      tpu.wait_dma2 semaphore(%run_scoped3A : memref<!tpu.dma_semaphore, #tpu.memory_space<semaphore_mem>>) src(%arg5 : memref<640x128xf32, #tpu.memory_space<hbm>>) dst(%dma_wait3A_18 : memref<640x128xf32, #tpu.memory_space<vmem_shared>>)
      tpu.yield
    }) : () -> ()
    %barrier3A = arith.constant 0 : index
    tpu.barrier barrier_id(%barrier3A)
    %scan3A = arith.constant 0 : i32
    %scan3A_7 = arith.constant 0 : i32
    %scan3A_8 = arith.constant 80 : i32
    %scan3A_9 = arith.addi %scan3A_7, %scan3A_8 : i32
    %scan3A_10 = arith.constant 1 : i32
    scf.for %scan3A_17 = %scan3A_7 to %scan3A_9 step %scan3A_10  : i32 {
      %dma_start3A = arith.constant 0 : i32
      %dma_start3A_18 = tpu.memref_slice %arg8[%scan3A_17, %dma_start3A] : memref<80x128xi32, #tpu.memory_space<vmem>> -> memref<1x128xi32, #tpu.memory_space<vmem>>
      %dma_start3A_19 = tpu.memref_squeeze %dma_start3A_18 : memref<1x128xi32, #tpu.memory_space<vmem>> -> memref<128xi32, #tpu.memory_space<vmem>>
      %dma_start3A_20 = arith.constant 0 : i32
      %dma_start3A_21 = arith.constant 0 : i32
      %dma_start3A_22 = tpu.memref_slice %arg2[%arg0, %dma_start3A_20, %dma_start3A_21] : memref<2x10240x128xf32, #tpu.memory_space<hbm>> -> memref<1x10240x128xf32, #tpu.memory_space<hbm>>
      %dma_start3A_23 = tpu.memref_squeeze %dma_start3A_22 : memref<1x10240x128xf32, #tpu.memory_space<hbm>> -> memref<10240x128xf32, #tpu.memory_space<hbm>>
      %dma_start3A_24 = arith.constant 0 : i32
      %dma_start3A_25 = arith.constant 0 : i32
      %dma_start3A_26 = tpu.memref_slice %dma_start3A_23[%dma_start3A_24, %dma_start3A_25] : memref<10240x128xf32, #tpu.memory_space<hbm>> -> memref<10240x128xf32, #tpu.memory_space<hbm>>
      tpu.enqueue_indirect_dma source(%dma_start3A_26 : memref<10240x128xf32, #tpu.memory_space<hbm>>) target(%arg10 : memref<128x128xf32, #tpu.memory_space<vmem>>) offsets(%dma_start3A_19 : memref<128xi32, #tpu.memory_space<vmem>>) semaphore(%arg11 : memref<!tpu.dma_semaphore, #tpu.memory_space<semaphore_mem>>)
      %dma_wait3A = arith.constant 0 : i32
      %dma_wait3A_27 = tpu.memref_slice %arg8[%scan3A_17, %dma_wait3A] : memref<80x128xi32, #tpu.memory_space<vmem>> -> memref<1x128xi32, #tpu.memory_space<vmem>>
      %dma_wait3A_28 = tpu.memref_squeeze %dma_wait3A_27 : memref<1x128xi32, #tpu.memory_space<vmem>> -> memref<128xi32, #tpu.memory_space<vmem>>
      %dma_wait3A_29 = arith.constant 0 : i32
      %dma_wait3A_30 = arith.constant 0 : i32
      %dma_wait3A_31 = tpu.memref_slice %arg2[%arg0, %dma_wait3A_29, %dma_wait3A_30] : memref<2x10240x128xf32, #tpu.memory_space<hbm>> -> memref<1x10240x128xf32, #tpu.memory_space<hbm>>
      %dma_wait3A_32 = tpu.memref_squeeze %dma_wait3A_31 : memref<1x10240x128xf32, #tpu.memory_space<hbm>> -> memref<10240x128xf32, #tpu.memory_space<hbm>>
      %dma_wait3A_33 = arith.constant 0 : i32
      %dma_wait3A_34 = arith.constant 0 : i32
      %dma_wait3A_35 = tpu.memref_slice %dma_wait3A_32[%dma_wait3A_33, %dma_wait3A_34] : memref<10240x128xf32, #tpu.memory_space<hbm>> -> memref<10240x128xf32, #tpu.memory_space<hbm>>
      tpu.wait_indirect_dma semaphore(%arg11 : memref<!tpu.dma_semaphore, #tpu.memory_space<semaphore_mem>>) src(%dma_wait3A_35 : memref<10240x128xf32, #tpu.memory_space<hbm>>) dst(%arg10 : memref<128x128xf32, #tpu.memory_space<vmem>>)
      %dma_start3A_36 = arith.constant 0 : i32
      %dma_start3A_37 = tpu.memref_slice %arg9[%scan3A_17, %dma_start3A_36] : memref<80x128xi32, #tpu.memory_space<vmem>> -> memref<1x128xi32, #tpu.memory_space<vmem>>
      %dma_start3A_38 = tpu.memref_squeeze %dma_start3A_37 : memref<1x128xi32, #tpu.memory_space<vmem>> -> memref<128xi32, #tpu.memory_space<vmem>>
      %dma_start3A_39 = arith.constant 0 : i32
      %dma_start3A_40 = arith.constant 0 : i32
      %dma_start3A_41 = tpu.memref_slice %arg7[%dma_start3A_39, %dma_start3A_40] : memref<10240x128xf32, #tpu.memory_space<vmem_shared>> -> memref<10240x128xf32, #tpu.memory_space<vmem_shared>>
      tpu.enqueue_indirect_dma source(%arg10 : memref<128x128xf32, #tpu.memory_space<vmem>>) target(%dma_start3A_41 : memref<10240x128xf32, #tpu.memory_space<vmem_shared>>) offsets(%dma_start3A_38 : memref<128xi32, #tpu.memory_space<vmem>>) semaphore(%arg12 : memref<!tpu.dma_semaphore, #tpu.memory_space<semaphore_mem>>) {add = true}
      %dma_wait3A_42 = arith.constant 0 : i32
      %dma_wait3A_43 = tpu.memref_slice %arg9[%scan3A_17, %dma_wait3A_42] : memref<80x128xi32, #tpu.memory_space<vmem>> -> memref<1x128xi32, #tpu.memory_space<vmem>>
      %dma_wait3A_44 = tpu.memref_squeeze %dma_wait3A_43 : memref<1x128xi32, #tpu.memory_space<vmem>> -> memref<128xi32, #tpu.memory_space<vmem>>
      %dma_wait3A_45 = arith.constant 0 : i32
      %dma_wait3A_46 = arith.constant 0 : i32
      %dma_wait3A_47 = tpu.memref_slice %arg7[%dma_wait3A_45, %dma_wait3A_46] : memref<10240x128xf32, #tpu.memory_space<vmem_shared>> -> memref<10240x128xf32, #tpu.memory_space<vmem_shared>>
      tpu.wait_indirect_dma semaphore(%arg12 : memref<!tpu.dma_semaphore, #tpu.memory_space<semaphore_mem>>) src(%arg10 : memref<128x128xf32, #tpu.memory_space<vmem>>) dst(%dma_wait3A_47 : memref<10240x128xf32, #tpu.memory_space<vmem_shared>>)
    }
    %scan3A_11 = arith.constant 80 : i32
    %barrier3A_12 = arith.constant 0 : index
    tpu.barrier barrier_id(%barrier3A_12)
    %mul3A_13 = arith.constant 640 : i32
    %mul3A_14 = arith.muli %arg1, %mul3A_13 : i32
    %mul3A_15 = arith.constant 640 : i32
    %mul3A_16 = arith.muli %arg1, %mul3A_15 : i32
    "tpu.region"() ({
      %run_scoped3A = tpu.sem_alloc : memref<!tpu.dma_semaphore, #tpu.memory_space<semaphore_mem>>
      %dma_start3A = arith.constant 0 : i32
      %dma_start3A_17 = tpu.memref_slice %arg6[%arg0, %mul3A_16, %dma_start3A] : memref<2x10240x128xf32, #tpu.memory_space<hbm>> -> memref<1x640x128xf32, #tpu.memory_space<hbm>>
      %dma_start3A_18 = tpu.memref_squeeze %dma_start3A_17 : memref<1x640x128xf32, #tpu.memory_space<hbm>> -> memref<640x128xf32, #tpu.memory_space<hbm>>
      %dma_start3A_19 = arith.constant 0 : i32
      %dma_start3A_20 = tpu.memref_slice %arg7[%mul3A_14, %dma_start3A_19] : memref<10240x128xf32, #tpu.memory_space<vmem_shared>> -> memref<640x128xf32, #tpu.memory_space<vmem_shared>>
      tpu.enqueue_dma source(%dma_start3A_20 : memref<640x128xf32, #tpu.memory_space<vmem_shared>>) target(%dma_start3A_18 : memref<640x128xf32, #tpu.memory_space<hbm>>) target_semaphore(%run_scoped3A : memref<!tpu.dma_semaphore, #tpu.memory_space<semaphore_mem>>)
      %dma_wait3A = arith.constant 0 : i32
      %dma_wait3A_21 = tpu.memref_slice %arg6[%arg0, %mul3A_16, %dma_wait3A] : memref<2x10240x128xf32, #tpu.memory_space<hbm>> -> memref<1x640x128xf32, #tpu.memory_space<hbm>>
      %dma_wait3A_22 = tpu.memref_squeeze %dma_wait3A_21 : memref<1x640x128xf32, #tpu.memory_space<hbm>> -> memref<640x128xf32, #tpu.memory_space<hbm>>
      %dma_wait3A_23 = arith.constant 0 : i32
      %dma_wait3A_24 = tpu.memref_slice %arg7[%mul3A_14, %dma_wait3A_23] : memref<10240x128xf32, #tpu.memory_space<vmem_shared>> -> memref<640x128xf32, #tpu.memory_space<vmem_shared>>
      tpu.wait_dma2 semaphore(%run_scoped3A : memref<!tpu.dma_semaphore, #tpu.memory_space<semaphore_mem>>) src(%dma_wait3A_24 : memref<640x128xf32, #tpu.memory_space<vmem_shared>>) dst(%dma_wait3A_22 : memref<640x128xf32, #tpu.memory_space<hbm>>)
      tpu.yield
    }) : () -> ()
    return
  }
}

#map = affine_map<(d0, d1) -> (0, 0, 0)>
#map1 = affine_map<(d0, d1) -> (0, 0)>
module attributes {stable_mosaic.version = 14 : i64} {
  func.func @body(%arg0: i32, %arg1: i32, %arg2: memref<2x10240x128xf32, #tpu.memory_space<hbm>>, %arg3: memref<2560x128xi32, #tpu.memory_space<hbm>>, %arg4: memref<2560x128xi32, #tpu.memory_space<hbm>>, %arg5: memref<640x128xf32, #tpu.memory_space<hbm>>, %arg6: memref<2x10240x128xf32, #tpu.memory_space<hbm>>, %arg7: memref<10240x128xf32, #tpu.memory_space<vmem_shared>>, %arg8: memref<80x128xi32, #tpu.memory_space<vmem>>, %arg9: memref<80x128xi32, #tpu.memory_space<vmem>>, %arg10: memref<128x128xf32, #tpu.memory_space<vmem>>, %arg11: memref<!tpu.dma_semaphore, #tpu.memory_space<semaphore_mem>>, %arg12: memref<!tpu.dma_semaphore, #tpu.memory_space<semaphore_mem>>) attributes {dimension_semantics = [#tpu.dimension_semantics<core_parallel>, #tpu.dimension_semantics<subcore_parallel>], iteration_bounds = array<i64: 2, 16>, scalar_prefetch = 0 : i64, scratch_operands = 6 : i64, tpu.core_type = #tpu.core_type<sc_vector_subcore>, window_params = [{transform_indices = #map}, {transform_indices = #map1}, {transform_indices = #map1}, {transform_indices = #map1}, {transform_indices = #map}]} {
    %mul3A = arith.constant 2 : i32
    %mul3A_0 = arith.muli %arg1, %mul3A : i32
    %add3A = arith.addi %mul3A_0, %arg0 : i32
    %mul3A_1 = arith.constant 80 : i32
    %mul3A_2 = arith.muli %add3A, %mul3A_1 : i32
    "tpu.region"() ({
      %run_scoped3A = tpu.sem_alloc : memref<!tpu.dma_semaphore, #tpu.memory_space<semaphore_mem>>
      %dma_start3A = arith.constant 0 : i32
      %dma_start3A_17 = tpu.memref_slice %arg3[%mul3A_2, %dma_start3A] : memref<2560x128xi32, #tpu.memory_space<hbm>> -> memref<80x128xi32, #tpu.memory_space<hbm>>
      %dma_start3A_18 = arith.constant 0 : i32
      %dma_start3A_19 = tpu.memref_slice %arg3[%mul3A_2, %dma_start3A_18] : memref<2560x128xi32, #tpu.memory_space<hbm>> -> memref<80x128xi32, #tpu.memory_space<hbm>>
      tpu.enqueue_dma source(%dma_start3A_19 : memref<80x128xi32, #tpu.memory_space<hbm>>) target(%arg8 : memref<80x128xi32, #tpu.memory_space<vmem>>) target_semaphore(%run_scoped3A : memref<!tpu.dma_semaphore, #tpu.memory_space<semaphore_mem>>)
      %dma_wait3A = arith.constant 0 : i32
      %dma_wait3A_20 = tpu.memref_slice %arg3[%mul3A_2, %dma_wait3A] : memref<2560x128xi32, #tpu.memory_space<hbm>> -> memref<80x128xi32, #tpu.memory_space<hbm>>
      %dma_wait3A_21 = arith.constant 0 : i32
      %dma_wait3A_22 = tpu.memref_slice %arg3[%mul3A_2, %dma_wait3A_21] : memref<2560x128xi32, #tpu.memory_space<hbm>> -> memref<80x128xi32, #tpu.memory_space<hbm>>
      tpu.wait_dma2 semaphore(%run_scoped3A : memref<!tpu.dma_semaphore, #tpu.memory_space<semaphore_mem>>) src(%dma_wait3A_22 : memref<80x128xi32, #tpu.memory_space<hbm>>) dst(%arg8 : memref<80x128xi32, #tpu.memory_space<vmem>>)
      tpu.yield
    }) : () -> ()
    %mul3A_3 = arith.constant 80 : i32
    %mul3A_4 = arith.muli %add3A, %mul3A_3 : i32
    "tpu.region"() ({
      %run_scoped3A = tpu.sem_alloc : memref<!tpu.dma_semaphore, #tpu.memory_space<semaphore_mem>>
      %dma_start3A = arith.constant 0 : i32
      %dma_start3A_17 = tpu.memref_slice %arg4[%mul3A_4, %dma_start3A] : memref<2560x128xi32, #tpu.memory_space<hbm>> -> memref<80x128xi32, #tpu.memory_space<hbm>>
      %dma_start3A_18 = arith.constant 0 : i32
      %dma_start3A_19 = tpu.memref_slice %arg4[%mul3A_4, %dma_start3A_18] : memref<2560x128xi32, #tpu.memory_space<hbm>> -> memref<80x128xi32, #tpu.memory_space<hbm>>
      tpu.enqueue_dma source(%dma_start3A_19 : memref<80x128xi32, #tpu.memory_space<hbm>>) target(%arg9 : memref<80x128xi32, #tpu.memory_space<vmem>>) target_semaphore(%run_scoped3A : memref<!tpu.dma_semaphore, #tpu.memory_space<semaphore_mem>>)
      %dma_wait3A = arith.constant 0 : i32
      %dma_wait3A_20 = tpu.memref_slice %arg4[%mul3A_4, %dma_wait3A] : memref<2560x128xi32, #tpu.memory_space<hbm>> -> memref<80x128xi32, #tpu.memory_space<hbm>>
      %dma_wait3A_21 = arith.constant 0 : i32
      %dma_wait3A_22 = tpu.memref_slice %arg4[%mul3A_4, %dma_wait3A_21] : memref<2560x128xi32, #tpu.memory_space<hbm>> -> memref<80x128xi32, #tpu.memory_space<hbm>>
      tpu.wait_dma2 semaphore(%run_scoped3A : memref<!tpu.dma_semaphore, #tpu.memory_space<semaphore_mem>>) src(%dma_wait3A_22 : memref<80x128xi32, #tpu.memory_space<hbm>>) dst(%arg9 : memref<80x128xi32, #tpu.memory_space<vmem>>)
      tpu.yield
    }) : () -> ()
    %mul3A_5 = arith.constant 640 : i32
    %mul3A_6 = arith.muli %arg1, %mul3A_5 : i32
    "tpu.region"() ({
      %run_scoped3A = tpu.sem_alloc : memref<!tpu.dma_semaphore, #tpu.memory_space<semaphore_mem>>
      %dma_start3A = arith.constant 0 : i32
      %dma_start3A_17 = tpu.memref_slice %arg7[%mul3A_6, %dma_start3A] : memref<10240x128xf32, #tpu.memory_space<vmem_shared>> -> memref<640x128xf32, #tpu.memory_space<vmem_shared>>
      tpu.enqueue_dma source(%arg5 : memref<640x128xf32, #tpu.memory_space<hbm>>) target(%dma_start3A_17 : memref<640x128xf32, #tpu.memory_space<vmem_shared>>) target_semaphore(%run_scoped3A : memref<!tpu.dma_semaphore, #tpu.memory_space<semaphore_mem>>)
      %dma_wait3A = arith.constant 0 : i32
      %dma_wait3A_18 = tpu.memref_slice %arg7[%mul3A_6, %dma_wait3A] : memref<10240x128xf32, #tpu.memory_space<vmem_shared>> -> memref<640x128xf32, #tpu.memory_space<vmem_shared>>
      tpu.wait_dma2 semaphore(%run_scoped3A : memref<!tpu.dma_semaphore, #tpu.memory_space<semaphore_mem>>) src(%arg5 : memref<640x128xf32, #tpu.memory_space<hbm>>) dst(%dma_wait3A_18 : memref<640x128xf32, #tpu.memory_space<vmem_shared>>)
      tpu.yield
    }) : () -> ()
    %barrier3A = arith.constant 0 : index
    tpu.barrier barrier_id(%barrier3A)
    %scan3A = arith.constant 0 : i32
    %scan3A_7 = arith.constant 0 : i32
    %scan3A_8 = arith.constant 80 : i32
    %scan3A_9 = arith.addi %scan3A_7, %scan3A_8 : i32
    %scan3A_10 = arith.constant 1 : i32
    scf.for %scan3A_17 = %scan3A_7 to %scan3A_9 step %scan3A_10  : i32 {
      %dma_start3A = arith.constant 0 : i32
      %dma_start3A_18 = tpu.memref_slice %arg8[%scan3A_17, %dma_start3A] : memref<80x128xi32, #tpu.memory_space<vmem>> -> memref<1x128xi32, #tpu.memory_space<vmem>>
      %dma_start3A_19 = tpu.memref_squeeze %dma_start3A_18 : memref<1x128xi32, #tpu.memory_space<vmem>> -> memref<128xi32, #tpu.memory_space<vmem>>
      %dma_start3A_20 = arith.constant 0 : i32
      %dma_start3A_21 = arith.constant 0 : i32
      %dma_start3A_22 = tpu.memref_slice %arg2[%arg0, %dma_start3A_20, %dma_start3A_21] : memref<2x10240x128xf32, #tpu.memory_space<hbm>> -> memref<1x10240x128xf32, #tpu.memory_space<hbm>>
      %dma_start3A_23 = tpu.memref_squeeze %dma_start3A_22 : memref<1x10240x128xf32, #tpu.memory_space<hbm>> -> memref<10240x128xf32, #tpu.memory_space<hbm>>
      %dma_start3A_24 = arith.constant 0 : i32
      %dma_start3A_25 = arith.constant 0 : i32
      %dma_start3A_26 = tpu.memref_slice %dma_start3A_23[%dma_start3A_24, %dma_start3A_25] : memref<10240x128xf32, #tpu.memory_space<hbm>> -> memref<10240x128xf32, #tpu.memory_space<hbm>>
      tpu.enqueue_indirect_dma source(%dma_start3A_26 : memref<10240x128xf32, #tpu.memory_space<hbm>>) target(%arg10 : memref<128x128xf32, #tpu.memory_space<vmem>>) offsets(%dma_start3A_19 : memref<128xi32, #tpu.memory_space<vmem>>) semaphore(%arg11 : memref<!tpu.dma_semaphore, #tpu.memory_space<semaphore_mem>>)
      %dma_wait3A = arith.constant 0 : i32
      %dma_wait3A_27 = tpu.memref_slice %arg8[%scan3A_17, %dma_wait3A] : memref<80x128xi32, #tpu.memory_space<vmem>> -> memref<1x128xi32, #tpu.memory_space<vmem>>
      %dma_wait3A_28 = tpu.memref_squeeze %dma_wait3A_27 : memref<1x128xi32, #tpu.memory_space<vmem>> -> memref<128xi32, #tpu.memory_space<vmem>>
      %dma_wait3A_29 = arith.constant 0 : i32
      %dma_wait3A_30 = arith.constant 0 : i32
      %dma_wait3A_31 = tpu.memref_slice %arg2[%arg0, %dma_wait3A_29, %dma_wait3A_30] : memref<2x10240x128xf32, #tpu.memory_space<hbm>> -> memref<1x10240x128xf32, #tpu.memory_space<hbm>>
      %dma_wait3A_32 = tpu.memref_squeeze %dma_wait3A_31 : memref<1x10240x128xf32, #tpu.memory_space<hbm>> -> memref<10240x128xf32, #tpu.memory_space<hbm>>
      %dma_wait3A_33 = arith.constant 0 : i32
      %dma_wait3A_34 = arith.constant 0 : i32
      %dma_wait3A_35 = tpu.memref_slice %dma_wait3A_32[%dma_wait3A_33, %dma_wait3A_34] : memref<10240x128xf32, #tpu.memory_space<hbm>> -> memref<10240x128xf32, #tpu.memory_space<hbm>>
      tpu.wait_indirect_dma semaphore(%arg11 : memref<!tpu.dma_semaphore, #tpu.memory_space<semaphore_mem>>) src(%dma_wait3A_35 : memref<10240x128xf32, #tpu.memory_space<hbm>>) dst(%arg10 : memref<128x128xf32, #tpu.memory_space<vmem>>)
      %dma_start3A_36 = arith.constant 0 : i32
      %dma_start3A_37 = tpu.memref_slice %arg9[%scan3A_17, %dma_start3A_36] : memref<80x128xi32, #tpu.memory_space<vmem>> -> memref<1x128xi32, #tpu.memory_space<vmem>>
      %dma_start3A_38 = tpu.memref_squeeze %dma_start3A_37 : memref<1x128xi32, #tpu.memory_space<vmem>> -> memref<128xi32, #tpu.memory_space<vmem>>
      %dma_start3A_39 = arith.constant 0 : i32
      %dma_start3A_40 = arith.constant 0 : i32
      %dma_start3A_41 = tpu.memref_slice %arg7[%dma_start3A_39, %dma_start3A_40] : memref<10240x128xf32, #tpu.memory_space<vmem_shared>> -> memref<10240x128xf32, #tpu.memory_space<vmem_shared>>
      tpu.enqueue_indirect_dma source(%arg10 : memref<128x128xf32, #tpu.memory_space<vmem>>) target(%dma_start3A_41 : memref<10240x128xf32, #tpu.memory_space<vmem_shared>>) offsets(%dma_start3A_38 : memref<128xi32, #tpu.memory_space<vmem>>) semaphore(%arg12 : memref<!tpu.dma_semaphore, #tpu.memory_space<semaphore_mem>>) {add = true}
      %dma_wait3A_42 = arith.constant 0 : i32
      %dma_wait3A_43 = tpu.memref_slice %arg9[%scan3A_17, %dma_wait3A_42] : memref<80x128xi32, #tpu.memory_space<vmem>> -> memref<1x128xi32, #tpu.memory_space<vmem>>
      %dma_wait3A_44 = tpu.memref_squeeze %dma_wait3A_43 : memref<1x128xi32, #tpu.memory_space<vmem>> -> memref<128xi32, #tpu.memory_space<vmem>>
      %dma_wait3A_45 = arith.constant 0 : i32
      %dma_wait3A_46 = arith.constant 0 : i32
      %dma_wait3A_47 = tpu.memref_slice %arg7[%dma_wait3A_45, %dma_wait3A_46] : memref<10240x128xf32, #tpu.memory_space<vmem_shared>> -> memref<10240x128xf32, #tpu.memory_space<vmem_shared>>
      tpu.wait_indirect_dma semaphore(%arg12 : memref<!tpu.dma_semaphore, #tpu.memory_space<semaphore_mem>>) src(%arg10 : memref<128x128xf32, #tpu.memory_space<vmem>>) dst(%dma_wait3A_47 : memref<10240x128xf32, #tpu.memory_space<vmem_shared>>)
    }
    %scan3A_11 = arith.constant 80 : i32
    %barrier3A_12 = arith.constant 0 : index
    tpu.barrier barrier_id(%barrier3A_12)
    %mul3A_13 = arith.constant 640 : i32
    %mul3A_14 = arith.muli %arg1, %mul3A_13 : i32
    %mul3A_15 = arith.constant 640 : i32
    %mul3A_16 = arith.muli %arg1, %mul3A_15 : i32
    "tpu.region"() ({
      %run_scoped3A = tpu.sem_alloc : memref<!tpu.dma_semaphore, #tpu.memory_space<semaphore_mem>>
      %dma_start3A = arith.constant 0 : i32
      %dma_start3A_17 = tpu.memref_slice %arg6[%arg0, %mul3A_16, %dma_start3A] : memref<2x10240x128xf32, #tpu.memory_space<hbm>> -> memref<1x640x128xf32, #tpu.memory_space<hbm>>
      %dma_start3A_18 = tpu.memref_squeeze %dma_start3A_17 : memref<1x640x128xf32, #tpu.memory_space<hbm>> -> memref<640x128xf32, #tpu.memory_space<hbm>>
      %dma_start3A_19 = arith.constant 0 : i32
      %dma_start3A_20 = tpu.memref_slice %arg7[%mul3A_14, %dma_start3A_19] : memref<10240x128xf32, #tpu.memory_space<vmem_shared>> -> memref<640x128xf32, #tpu.memory_space<vmem_shared>>
      tpu.enqueue_dma source(%dma_start3A_20 : memref<640x128xf32, #tpu.memory_space<vmem_shared>>) target(%dma_start3A_18 : memref<640x128xf32, #tpu.memory_space<hbm>>) target_semaphore(%run_scoped3A : memref<!tpu.dma_semaphore, #tpu.memory_space<semaphore_mem>>)
      %dma_wait3A = arith.constant 0 : i32
      %dma_wait3A_21 = tpu.memref_slice %arg6[%arg0, %mul3A_16, %dma_wait3A] : memref<2x10240x128xf32, #tpu.memory_space<hbm>> -> memref<1x640x128xf32, #tpu.memory_space<hbm>>
      %dma_wait3A_22 = tpu.memref_squeeze %dma_wait3A_21 : memref<1x640x128xf32, #tpu.memory_space<hbm>> -> memref<640x128xf32, #tpu.memory_space<hbm>>
      %dma_wait3A_23 = arith.constant 0 : i32
      %dma_wait3A_24 = tpu.memref_slice %arg7[%mul3A_14, %dma_wait3A_23] : memref<10240x128xf32, #tpu.memory_space<vmem_shared>> -> memref<640x128xf32, #tpu.memory_space<vmem_shared>>
      tpu.wait_dma2 semaphore(%run_scoped3A : memref<!tpu.dma_semaphore, #tpu.memory_space<semaphore_mem>>) src(%dma_wait3A_24 : memref<640x128xf32, #tpu.memory_space<vmem_shared>>) dst(%dma_wait3A_22 : memref<640x128xf32, #tpu.memory_space<hbm>>)
      tpu.yield
    }) : () -> ()
    return
  }
}

#map = affine_map<(d0, d1) -> (0, 0, 0)>
#map1 = affine_map<(d0, d1) -> (0, 0)>
module attributes {stable_mosaic.version = 14 : i64} {
  func.func @body(%arg0: i32, %arg1: i32, %arg2: memref<2x10240x128xf32, #tpu.memory_space<hbm>>, %arg3: memref<2560x128xi32, #tpu.memory_space<hbm>>, %arg4: memref<2560x128xi32, #tpu.memory_space<hbm>>, %arg5: memref<640x128xf32, #tpu.memory_space<hbm>>, %arg6: memref<2x10240x128xf32, #tpu.memory_space<hbm>>, %arg7: memref<10240x128xf32, #tpu.memory_space<vmem_shared>>, %arg8: memref<80x128xi32, #tpu.memory_space<vmem>>, %arg9: memref<80x128xi32, #tpu.memory_space<vmem>>, %arg10: memref<128x128xf32, #tpu.memory_space<vmem>>, %arg11: memref<!tpu.dma_semaphore, #tpu.memory_space<semaphore_mem>>, %arg12: memref<!tpu.dma_semaphore, #tpu.memory_space<semaphore_mem>>) attributes {dimension_semantics = [#tpu.dimension_semantics<core_parallel>, #tpu.dimension_semantics<subcore_parallel>], iteration_bounds = array<i64: 2, 16>, scalar_prefetch = 0 : i64, scratch_operands = 6 : i64, tpu.core_type = #tpu.core_type<sc_vector_subcore>, window_params = [{transform_indices = #map}, {transform_indices = #map1}, {transform_indices = #map1}, {transform_indices = #map1}, {transform_indices = #map}]} {
    %mul3A = arith.constant 2 : i32
    %mul3A_0 = arith.muli %arg1, %mul3A : i32
    %add3A = arith.addi %mul3A_0, %arg0 : i32
    %mul3A_1 = arith.constant 80 : i32
    %mul3A_2 = arith.muli %add3A, %mul3A_1 : i32
    "tpu.region"() ({
      %run_scoped3A = tpu.sem_alloc : memref<!tpu.dma_semaphore, #tpu.memory_space<semaphore_mem>>
      %dma_start3A = arith.constant 0 : i32
      %dma_start3A_17 = tpu.memref_slice %arg3[%mul3A_2, %dma_start3A] : memref<2560x128xi32, #tpu.memory_space<hbm>> -> memref<80x128xi32, #tpu.memory_space<hbm>>
      %dma_start3A_18 = arith.constant 0 : i32
      %dma_start3A_19 = tpu.memref_slice %arg3[%mul3A_2, %dma_start3A_18] : memref<2560x128xi32, #tpu.memory_space<hbm>> -> memref<80x128xi32, #tpu.memory_space<hbm>>
      tpu.enqueue_dma source(%dma_start3A_19 : memref<80x128xi32, #tpu.memory_space<hbm>>) target(%arg8 : memref<80x128xi32, #tpu.memory_space<vmem>>) target_semaphore(%run_scoped3A : memref<!tpu.dma_semaphore, #tpu.memory_space<semaphore_mem>>)
      %dma_wait3A = arith.constant 0 : i32
      %dma_wait3A_20 = tpu.memref_slice %arg3[%mul3A_2, %dma_wait3A] : memref<2560x128xi32, #tpu.memory_space<hbm>> -> memref<80x128xi32, #tpu.memory_space<hbm>>
      %dma_wait3A_21 = arith.constant 0 : i32
      %dma_wait3A_22 = tpu.memref_slice %arg3[%mul3A_2, %dma_wait3A_21] : memref<2560x128xi32, #tpu.memory_space<hbm>> -> memref<80x128xi32, #tpu.memory_space<hbm>>
      tpu.wait_dma2 semaphore(%run_scoped3A : memref<!tpu.dma_semaphore, #tpu.memory_space<semaphore_mem>>) src(%dma_wait3A_22 : memref<80x128xi32, #tpu.memory_space<hbm>>) dst(%arg8 : memref<80x128xi32, #tpu.memory_space<vmem>>)
      tpu.yield
    }) : () -> ()
    %mul3A_3 = arith.constant 80 : i32
    %mul3A_4 = arith.muli %add3A, %mul3A_3 : i32
    "tpu.region"() ({
      %run_scoped3A = tpu.sem_alloc : memref<!tpu.dma_semaphore, #tpu.memory_space<semaphore_mem>>
      %dma_start3A = arith.constant 0 : i32
      %dma_start3A_17 = tpu.memref_slice %arg4[%mul3A_4, %dma_start3A] : memref<2560x128xi32, #tpu.memory_space<hbm>> -> memref<80x128xi32, #tpu.memory_space<hbm>>
      %dma_start3A_18 = arith.constant 0 : i32
      %dma_start3A_19 = tpu.memref_slice %arg4[%mul3A_4, %dma_start3A_18] : memref<2560x128xi32, #tpu.memory_space<hbm>> -> memref<80x128xi32, #tpu.memory_space<hbm>>
      tpu.enqueue_dma source(%dma_start3A_19 : memref<80x128xi32, #tpu.memory_space<hbm>>) target(%arg9 : memref<80x128xi32, #tpu.memory_space<vmem>>) target_semaphore(%run_scoped3A : memref<!tpu.dma_semaphore, #tpu.memory_space<semaphore_mem>>)
      %dma_wait3A = arith.constant 0 : i32
      %dma_wait3A_20 = tpu.memref_slice %arg4[%mul3A_4, %dma_wait3A] : memref<2560x128xi32, #tpu.memory_space<hbm>> -> memref<80x128xi32, #tpu.memory_space<hbm>>
      %dma_wait3A_21 = arith.constant 0 : i32
      %dma_wait3A_22 = tpu.memref_slice %arg4[%mul3A_4, %dma_wait3A_21] : memref<2560x128xi32, #tpu.memory_space<hbm>> -> memref<80x128xi32, #tpu.memory_space<hbm>>
      tpu.wait_dma2 semaphore(%run_scoped3A : memref<!tpu.dma_semaphore, #tpu.memory_space<semaphore_mem>>) src(%dma_wait3A_22 : memref<80x128xi32, #tpu.memory_space<hbm>>) dst(%arg9 : memref<80x128xi32, #tpu.memory_space<vmem>>)
      tpu.yield
    }) : () -> ()
    %mul3A_5 = arith.constant 640 : i32
    %mul3A_6 = arith.muli %arg1, %mul3A_5 : i32
    "tpu.region"() ({
      %run_scoped3A = tpu.sem_alloc : memref<!tpu.dma_semaphore, #tpu.memory_space<semaphore_mem>>
      %dma_start3A = arith.constant 0 : i32
      %dma_start3A_17 = tpu.memref_slice %arg7[%mul3A_6, %dma_start3A] : memref<10240x128xf32, #tpu.memory_space<vmem_shared>> -> memref<640x128xf32, #tpu.memory_space<vmem_shared>>
      tpu.enqueue_dma source(%arg5 : memref<640x128xf32, #tpu.memory_space<hbm>>) target(%dma_start3A_17 : memref<640x128xf32, #tpu.memory_space<vmem_shared>>) target_semaphore(%run_scoped3A : memref<!tpu.dma_semaphore, #tpu.memory_space<semaphore_mem>>)
      %dma_wait3A = arith.constant 0 : i32
      %dma_wait3A_18 = tpu.memref_slice %arg7[%mul3A_6, %dma_wait3A] : memref<10240x128xf32, #tpu.memory_space<vmem_shared>> -> memref<640x128xf32, #tpu.memory_space<vmem_shared>>
      tpu.wait_dma2 semaphore(%run_scoped3A : memref<!tpu.dma_semaphore, #tpu.memory_space<semaphore_mem>>) src(%arg5 : memref<640x128xf32, #tpu.memory_space<hbm>>) dst(%dma_wait3A_18 : memref<640x128xf32, #tpu.memory_space<vmem_shared>>)
      tpu.yield
    }) : () -> ()
    %barrier3A = arith.constant 0 : index
    tpu.barrier barrier_id(%barrier3A)
    %scan3A = arith.constant 0 : i32
    %scan3A_7 = arith.constant 0 : i32
    %scan3A_8 = arith.constant 80 : i32
    %scan3A_9 = arith.addi %scan3A_7, %scan3A_8 : i32
    %scan3A_10 = arith.constant 1 : i32
    scf.for %scan3A_17 = %scan3A_7 to %scan3A_9 step %scan3A_10  : i32 {
      %dma_start3A = arith.constant 0 : i32
      %dma_start3A_18 = tpu.memref_slice %arg8[%scan3A_17, %dma_start3A] : memref<80x128xi32, #tpu.memory_space<vmem>> -> memref<1x128xi32, #tpu.memory_space<vmem>>
      %dma_start3A_19 = tpu.memref_squeeze %dma_start3A_18 : memref<1x128xi32, #tpu.memory_space<vmem>> -> memref<128xi32, #tpu.memory_space<vmem>>
      %dma_start3A_20 = arith.constant 0 : i32
      %dma_start3A_21 = arith.constant 0 : i32
      %dma_start3A_22 = tpu.memref_slice %arg2[%arg0, %dma_start3A_20, %dma_start3A_21] : memref<2x10240x128xf32, #tpu.memory_space<hbm>> -> memref<1x10240x128xf32, #tpu.memory_space<hbm>>
      %dma_start3A_23 = tpu.memref_squeeze %dma_start3A_22 : memref<1x10240x128xf32, #tpu.memory_space<hbm>> -> memref<10240x128xf32, #tpu.memory_space<hbm>>
      %dma_start3A_24 = arith.constant 0 : i32
      %dma_start3A_25 = arith.constant 0 : i32
      %dma_start3A_26 = tpu.memref_slice %dma_start3A_23[%dma_start3A_24, %dma_start3A_25] : memref<10240x128xf32, #tpu.memory_space<hbm>> -> memref<10240x128xf32, #tpu.memory_space<hbm>>
      tpu.enqueue_indirect_dma source(%dma_start3A_26 : memref<10240x128xf32, #tpu.memory_space<hbm>>) target(%arg10 : memref<128x128xf32, #tpu.memory_space<vmem>>) offsets(%dma_start3A_19 : memref<128xi32, #tpu.memory_space<vmem>>) semaphore(%arg11 : memref<!tpu.dma_semaphore, #tpu.memory_space<semaphore_mem>>)
      %dma_wait3A = arith.constant 0 : i32
      %dma_wait3A_27 = tpu.memref_slice %arg8[%scan3A_17, %dma_wait3A] : memref<80x128xi32, #tpu.memory_space<vmem>> -> memref<1x128xi32, #tpu.memory_space<vmem>>
      %dma_wait3A_28 = tpu.memref_squeeze %dma_wait3A_27 : memref<1x128xi32, #tpu.memory_space<vmem>> -> memref<128xi32, #tpu.memory_space<vmem>>
      %dma_wait3A_29 = arith.constant 0 : i32
      %dma_wait3A_30 = arith.constant 0 : i32
      %dma_wait3A_31 = tpu.memref_slice %arg2[%arg0, %dma_wait3A_29, %dma_wait3A_30] : memref<2x10240x128xf32, #tpu.memory_space<hbm>> -> memref<1x10240x128xf32, #tpu.memory_space<hbm>>
      %dma_wait3A_32 = tpu.memref_squeeze %dma_wait3A_31 : memref<1x10240x128xf32, #tpu.memory_space<hbm>> -> memref<10240x128xf32, #tpu.memory_space<hbm>>
      %dma_wait3A_33 = arith.constant 0 : i32
      %dma_wait3A_34 = arith.constant 0 : i32
      %dma_wait3A_35 = tpu.memref_slice %dma_wait3A_32[%dma_wait3A_33, %dma_wait3A_34] : memref<10240x128xf32, #tpu.memory_space<hbm>> -> memref<10240x128xf32, #tpu.memory_space<hbm>>
      tpu.wait_indirect_dma semaphore(%arg11 : memref<!tpu.dma_semaphore, #tpu.memory_space<semaphore_mem>>) src(%dma_wait3A_35 : memref<10240x128xf32, #tpu.memory_space<hbm>>) dst(%arg10 : memref<128x128xf32, #tpu.memory_space<vmem>>)
      %dma_start3A_36 = arith.constant 0 : i32
      %dma_start3A_37 = tpu.memref_slice %arg9[%scan3A_17, %dma_start3A_36] : memref<80x128xi32, #tpu.memory_space<vmem>> -> memref<1x128xi32, #tpu.memory_space<vmem>>
      %dma_start3A_38 = tpu.memref_squeeze %dma_start3A_37 : memref<1x128xi32, #tpu.memory_space<vmem>> -> memref<128xi32, #tpu.memory_space<vmem>>
      %dma_start3A_39 = arith.constant 0 : i32
      %dma_start3A_40 = arith.constant 0 : i32
      %dma_start3A_41 = tpu.memref_slice %arg7[%dma_start3A_39, %dma_start3A_40] : memref<10240x128xf32, #tpu.memory_space<vmem_shared>> -> memref<10240x128xf32, #tpu.memory_space<vmem_shared>>
      tpu.enqueue_indirect_dma source(%arg10 : memref<128x128xf32, #tpu.memory_space<vmem>>) target(%dma_start3A_41 : memref<10240x128xf32, #tpu.memory_space<vmem_shared>>) offsets(%dma_start3A_38 : memref<128xi32, #tpu.memory_space<vmem>>) semaphore(%arg12 : memref<!tpu.dma_semaphore, #tpu.memory_space<semaphore_mem>>) {add = true}
      %dma_wait3A_42 = arith.constant 0 : i32
      %dma_wait3A_43 = tpu.memref_slice %arg9[%scan3A_17, %dma_wait3A_42] : memref<80x128xi32, #tpu.memory_space<vmem>> -> memref<1x128xi32, #tpu.memory_space<vmem>>
      %dma_wait3A_44 = tpu.memref_squeeze %dma_wait3A_43 : memref<1x128xi32, #tpu.memory_space<vmem>> -> memref<128xi32, #tpu.memory_space<vmem>>
      %dma_wait3A_45 = arith.constant 0 : i32
      %dma_wait3A_46 = arith.constant 0 : i32
      %dma_wait3A_47 = tpu.memref_slice %arg7[%dma_wait3A_45, %dma_wait3A_46] : memref<10240x128xf32, #tpu.memory_space<vmem_shared>> -> memref<10240x128xf32, #tpu.memory_space<vmem_shared>>
      tpu.wait_indirect_dma semaphore(%arg12 : memref<!tpu.dma_semaphore, #tpu.memory_space<semaphore_mem>>) src(%arg10 : memref<128x128xf32, #tpu.memory_space<vmem>>) dst(%dma_wait3A_47 : memref<10240x128xf32, #tpu.memory_space<vmem_shared>>)
    }
    %scan3A_11 = arith.constant 80 : i32
    %barrier3A_12 = arith.constant 0 : index
    tpu.barrier barrier_id(%barrier3A_12)
    %mul3A_13 = arith.constant 640 : i32
    %mul3A_14 = arith.muli %arg1, %mul3A_13 : i32
    %mul3A_15 = arith.constant 640 : i32
    %mul3A_16 = arith.muli %arg1, %mul3A_15 : i32
    "tpu.region"() ({
      %run_scoped3A = tpu.sem_alloc : memref<!tpu.dma_semaphore, #tpu.memory_space<semaphore_mem>>
      %dma_start3A = arith.constant 0 : i32
      %dma_start3A_17 = tpu.memref_slice %arg6[%arg0, %mul3A_16, %dma_start3A] : memref<2x10240x128xf32, #tpu.memory_space<hbm>> -> memref<1x640x128xf32, #tpu.memory_space<hbm>>
      %dma_start3A_18 = tpu.memref_squeeze %dma_start3A_17 : memref<1x640x128xf32, #tpu.memory_space<hbm>> -> memref<640x128xf32, #tpu.memory_space<hbm>>
      %dma_start3A_19 = arith.constant 0 : i32
      %dma_start3A_20 = tpu.memref_slice %arg7[%mul3A_14, %dma_start3A_19] : memref<10240x128xf32, #tpu.memory_space<vmem_shared>> -> memref<640x128xf32, #tpu.memory_space<vmem_shared>>
      tpu.enqueue_dma source(%dma_start3A_20 : memref<640x128xf32, #tpu.memory_space<vmem_shared>>) target(%dma_start3A_18 : memref<640x128xf32, #tpu.memory_space<hbm>>) target_semaphore(%run_scoped3A : memref<!tpu.dma_semaphore, #tpu.memory_space<semaphore_mem>>)
      %dma_wait3A = arith.constant 0 : i32
      %dma_wait3A_21 = tpu.memref_slice %arg6[%arg0, %mul3A_16, %dma_wait3A] : memref<2x10240x128xf32, #tpu.memory_space<hbm>> -> memref<1x640x128xf32, #tpu.memory_space<hbm>>
      %dma_wait3A_22 = tpu.memref_squeeze %dma_wait3A_21 : memref<1x640x128xf32, #tpu.memory_space<hbm>> -> memref<640x128xf32, #tpu.memory_space<hbm>>
      %dma_wait3A_23 = arith.constant 0 : i32
      %dma_wait3A_24 = tpu.memref_slice %arg7[%mul3A_14, %dma_wait3A_23] : memref<10240x128xf32, #tpu.memory_space<vmem_shared>> -> memref<640x128xf32, #tpu.memory_space<vmem_shared>>
      tpu.wait_dma2 semaphore(%run_scoped3A : memref<!tpu.dma_semaphore, #tpu.memory_space<semaphore_mem>>) src(%dma_wait3A_24 : memref<640x128xf32, #tpu.memory_space<vmem_shared>>) dst(%dma_wait3A_22 : memref<640x128xf32, #tpu.memory_space<hbm>>)
      tpu.yield
    }) : () -> ()
    return
  }
}

#map = affine_map<(d0, d1) -> (0, 0)>
#map1 = affine_map<(d0, d1) -> (0, 0, 0)>
module attributes {stable_mosaic.version = 14 : i64} {
  func.func @body(%arg0: i32, %arg1: i32, %arg2: memref<2560x128xi32, #tpu.memory_space<hbm>>, %arg3: memref<128x128xf32, #tpu.memory_space<hbm>>, %arg4: memref<640x128xf32, #tpu.memory_space<hbm>>, %arg5: memref<2x10240x128xf32, #tpu.memory_space<hbm>>, %arg6: memref<10240x128xf32, #tpu.memory_space<vmem_shared>>, %arg7: memref<80x128xi32, #tpu.memory_space<vmem>>, %arg8: memref<128x128xf32, #tpu.memory_space<vmem>>, %arg9: memref<5x!tpu.dma_semaphore, #tpu.memory_space<semaphore_mem>>) attributes {dimension_semantics = [#tpu.dimension_semantics<core_parallel>, #tpu.dimension_semantics<subcore_parallel>], iteration_bounds = array<i64: 2, 16>, scalar_prefetch = 0 : i64, scratch_operands = 4 : i64, tpu.core_type = #tpu.core_type<sc_vector_subcore>, window_params = [{transform_indices = #map}, {transform_indices = #map}, {transform_indices = #map}, {transform_indices = #map1}]} {
    %mul3A = arith.constant 2 : i32
    %mul3A_0 = arith.muli %arg1, %mul3A : i32
    %add3A = arith.addi %mul3A_0, %arg0 : i32
    %mul3A_1 = arith.constant 80 : i32
    %mul3A_2 = arith.muli %add3A, %mul3A_1 : i32
    "tpu.region"() ({
      %run_scoped3A = tpu.sem_alloc : memref<!tpu.dma_semaphore, #tpu.memory_space<semaphore_mem>>
      %dma_start3A = arith.constant 0 : i32
      %dma_start3A_15 = tpu.memref_slice %arg2[%mul3A_2, %dma_start3A] : memref<2560x128xi32, #tpu.memory_space<hbm>> -> memref<80x128xi32, #tpu.memory_space<hbm>>
      %dma_start3A_16 = arith.constant 0 : i32
      %dma_start3A_17 = tpu.memref_slice %arg2[%mul3A_2, %dma_start3A_16] : memref<2560x128xi32, #tpu.memory_space<hbm>> -> memref<80x128xi32, #tpu.memory_space<hbm>>
      tpu.enqueue_dma source(%dma_start3A_17 : memref<80x128xi32, #tpu.memory_space<hbm>>) target(%arg7 : memref<80x128xi32, #tpu.memory_space<vmem>>) target_semaphore(%run_scoped3A : memref<!tpu.dma_semaphore, #tpu.memory_space<semaphore_mem>>)
      %dma_wait3A = arith.constant 0 : i32
      %dma_wait3A_18 = tpu.memref_slice %arg2[%mul3A_2, %dma_wait3A] : memref<2560x128xi32, #tpu.memory_space<hbm>> -> memref<80x128xi32, #tpu.memory_space<hbm>>
      %dma_wait3A_19 = arith.constant 0 : i32
      %dma_wait3A_20 = tpu.memref_slice %arg2[%mul3A_2, %dma_wait3A_19] : memref<2560x128xi32, #tpu.memory_space<hbm>> -> memref<80x128xi32, #tpu.memory_space<hbm>>
      tpu.wait_dma2 semaphore(%run_scoped3A : memref<!tpu.dma_semaphore, #tpu.memory_space<semaphore_mem>>) src(%dma_wait3A_20 : memref<80x128xi32, #tpu.memory_space<hbm>>) dst(%arg7 : memref<80x128xi32, #tpu.memory_space<vmem>>)
      tpu.yield
    }) : () -> ()
    %mul3A_3 = arith.constant 640 : i32
    %mul3A_4 = arith.muli %arg1, %mul3A_3 : i32
    "tpu.region"() ({
      %run_scoped3A = tpu.sem_alloc : memref<!tpu.dma_semaphore, #tpu.memory_space<semaphore_mem>>
      %dma_start3A = arith.constant 0 : i32
      %dma_start3A_15 = tpu.memref_slice %arg6[%mul3A_4, %dma_start3A] : memref<10240x128xf32, #tpu.memory_space<vmem_shared>> -> memref<640x128xf32, #tpu.memory_space<vmem_shared>>
      tpu.enqueue_dma source(%arg4 : memref<640x128xf32, #tpu.memory_space<hbm>>) target(%dma_start3A_15 : memref<640x128xf32, #tpu.memory_space<vmem_shared>>) target_semaphore(%run_scoped3A : memref<!tpu.dma_semaphore, #tpu.memory_space<semaphore_mem>>)
      %dma_wait3A = arith.constant 0 : i32
      %dma_wait3A_16 = tpu.memref_slice %arg6[%mul3A_4, %dma_wait3A] : memref<10240x128xf32, #tpu.memory_space<vmem_shared>> -> memref<640x128xf32, #tpu.memory_space<vmem_shared>>
      tpu.wait_dma2 semaphore(%run_scoped3A : memref<!tpu.dma_semaphore, #tpu.memory_space<semaphore_mem>>) src(%arg4 : memref<640x128xf32, #tpu.memory_space<hbm>>) dst(%dma_wait3A_16 : memref<640x128xf32, #tpu.memory_space<vmem_shared>>)
      tpu.yield
    }) : () -> ()
    "tpu.region"() ({
      %run_scoped3A = tpu.sem_alloc : memref<!tpu.dma_semaphore, #tpu.memory_space<semaphore_mem>>
      tpu.enqueue_dma source(%arg3 : memref<128x128xf32, #tpu.memory_space<hbm>>) target(%arg8 : memref<128x128xf32, #tpu.memory_space<vmem>>) target_semaphore(%run_scoped3A : memref<!tpu.dma_semaphore, #tpu.memory_space<semaphore_mem>>)
      tpu.wait_dma2 semaphore(%run_scoped3A : memref<!tpu.dma_semaphore, #tpu.memory_space<semaphore_mem>>) src(%arg3 : memref<128x128xf32, #tpu.memory_space<hbm>>) dst(%arg8 : memref<128x128xf32, #tpu.memory_space<vmem>>)
      tpu.yield
    }) : () -> ()
    %barrier3A = arith.constant 0 : index
    tpu.barrier barrier_id(%barrier3A)
    %scan3A = arith.constant 0 : i32
    %scan3A_5 = arith.constant 0 : i32
    %scan3A_6 = arith.constant 16 : i32
    %scan3A_7 = arith.addi %scan3A_5, %scan3A_6 : i32
    %scan3A_8 = arith.constant 1 : i32
    scf.for %scan3A_15 = %scan3A_5 to %scan3A_7 step %scan3A_8  : i32 {
      %mul3A_16 = arith.constant 5 : i32
      %mul3A_17 = arith.muli %scan3A_15, %mul3A_16 : i32
      %add3A_18 = arith.constant 0 : i32
      %add3A_19 = arith.addi %mul3A_17, %add3A_18 : i32
      %dma_start3A = arith.constant 0 : i32
      %dma_start3A_20 = arith.constant 0 : i32
      %dma_start3A_21 = tpu.memref_slice %arg7[%add3A_19, %dma_start3A_20] : memref<80x128xi32, #tpu.memory_space<vmem>> -> memref<1x128xi32, #tpu.memory_space<vmem>>
      %dma_start3A_22 = tpu.memref_squeeze %dma_start3A_21 : memref<1x128xi32, #tpu.memory_space<vmem>> -> memref<128xi32, #tpu.memory_space<vmem>>
      %dma_start3A_23 = arith.constant 0 : i32
      %dma_start3A_24 = arith.constant 0 : i32
      %dma_start3A_25 = tpu.memref_slice %arg6[%dma_start3A_23, %dma_start3A_24] : memref<10240x128xf32, #tpu.memory_space<vmem_shared>> -> memref<10240x128xf32, #tpu.memory_space<vmem_shared>>
      %dma_start3A_26 = tpu.memref_slice %arg9[%dma_start3A] : memref<5x!tpu.dma_semaphore, #tpu.memory_space<semaphore_mem>> -> memref<1x!tpu.dma_semaphore, #tpu.memory_space<semaphore_mem>>
      %dma_start3A_27 = tpu.memref_squeeze %dma_start3A_26 : memref<1x!tpu.dma_semaphore, #tpu.memory_space<semaphore_mem>> -> memref<!tpu.dma_semaphore, #tpu.memory_space<semaphore_mem>>
      tpu.enqueue_indirect_dma source(%arg8 : memref<128x128xf32, #tpu.memory_space<vmem>>) target(%dma_start3A_25 : memref<10240x128xf32, #tpu.memory_space<vmem_shared>>) offsets(%dma_start3A_22 : memref<128xi32, #tpu.memory_space<vmem>>) semaphore(%dma_start3A_27 : memref<!tpu.dma_semaphore, #tpu.memory_space<semaphore_mem>>) {add = true}
      %add3A_28 = arith.constant 1 : i32
      %add3A_29 = arith.addi %mul3A_17, %add3A_28 : i32
      %dma_start3A_30 = arith.constant 1 : i32
      %dma_start3A_31 = arith.constant 0 : i32
      %dma_start3A_32 = tpu.memref_slice %arg7[%add3A_29, %dma_start3A_31] : memref<80x128xi32, #tpu.memory_space<vmem>> -> memref<1x128xi32, #tpu.memory_space<vmem>>
      %dma_start3A_33 = tpu.memref_squeeze %dma_start3A_32 : memref<1x128xi32, #tpu.memory_space<vmem>> -> memref<128xi32, #tpu.memory_space<vmem>>
      %dma_start3A_34 = arith.constant 0 : i32
      %dma_start3A_35 = arith.constant 0 : i32
      %dma_start3A_36 = tpu.memref_slice %arg6[%dma_start3A_34, %dma_start3A_35] : memref<10240x128xf32, #tpu.memory_space<vmem_shared>> -> memref<10240x128xf32, #tpu.memory_space<vmem_shared>>
      %dma_start3A_37 = tpu.memref_slice %arg9[%dma_start3A_30] : memref<5x!tpu.dma_semaphore, #tpu.memory_space<semaphore_mem>> -> memref<1x!tpu.dma_semaphore, #tpu.memory_space<semaphore_mem>>
      %dma_start3A_38 = tpu.memref_squeeze %dma_start3A_37 : memref<1x!tpu.dma_semaphore, #tpu.memory_space<semaphore_mem>> -> memref<!tpu.dma_semaphore, #tpu.memory_space<semaphore_mem>>
      tpu.enqueue_indirect_dma source(%arg8 : memref<128x128xf32, #tpu.memory_space<vmem>>) target(%dma_start3A_36 : memref<10240x128xf32, #tpu.memory_space<vmem_shared>>) offsets(%dma_start3A_33 : memref<128xi32, #tpu.memory_space<vmem>>) semaphore(%dma_start3A_38 : memref<!tpu.dma_semaphore, #tpu.memory_space<semaphore_mem>>) {add = true}
      %add3A_39 = arith.constant 2 : i32
      %add3A_40 = arith.addi %mul3A_17, %add3A_39 : i32
      %dma_start3A_41 = arith.constant 2 : i32
      %dma_start3A_42 = arith.constant 0 : i32
      %dma_start3A_43 = tpu.memref_slice %arg7[%add3A_40, %dma_start3A_42] : memref<80x128xi32, #tpu.memory_space<vmem>> -> memref<1x128xi32, #tpu.memory_space<vmem>>
      %dma_start3A_44 = tpu.memref_squeeze %dma_start3A_43 : memref<1x128xi32, #tpu.memory_space<vmem>> -> memref<128xi32, #tpu.memory_space<vmem>>
      %dma_start3A_45 = arith.constant 0 : i32
      %dma_start3A_46 = arith.constant 0 : i32
      %dma_start3A_47 = tpu.memref_slice %arg6[%dma_start3A_45, %dma_start3A_46] : memref<10240x128xf32, #tpu.memory_space<vmem_shared>> -> memref<10240x128xf32, #tpu.memory_space<vmem_shared>>
      %dma_start3A_48 = tpu.memref_slice %arg9[%dma_start3A_41] : memref<5x!tpu.dma_semaphore, #tpu.memory_space<semaphore_mem>> -> memref<1x!tpu.dma_semaphore, #tpu.memory_space<semaphore_mem>>
      %dma_start3A_49 = tpu.memref_squeeze %dma_start3A_48 : memref<1x!tpu.dma_semaphore, #tpu.memory_space<semaphore_mem>> -> memref<!tpu.dma_semaphore, #tpu.memory_space<semaphore_mem>>
      tpu.enqueue_indirect_dma source(%arg8 : memref<128x128xf32, #tpu.memory_space<vmem>>) target(%dma_start3A_47 : memref<10240x128xf32, #tpu.memory_space<vmem_shared>>) offsets(%dma_start3A_44 : memref<128xi32, #tpu.memory_space<vmem>>) semaphore(%dma_start3A_49 : memref<!tpu.dma_semaphore, #tpu.memory_space<semaphore_mem>>) {add = true}
      %add3A_50 = arith.constant 3 : i32
      %add3A_51 = arith.addi %mul3A_17, %add3A_50 : i32
      %dma_start3A_52 = arith.constant 3 : i32
      %dma_start3A_53 = arith.constant 0 : i32
      %dma_start3A_54 = tpu.memref_slice %arg7[%add3A_51, %dma_start3A_53] : memref<80x128xi32, #tpu.memory_space<vmem>> -> memref<1x128xi32, #tpu.memory_space<vmem>>
      %dma_start3A_55 = tpu.memref_squeeze %dma_start3A_54 : memref<1x128xi32, #tpu.memory_space<vmem>> -> memref<128xi32, #tpu.memory_space<vmem>>
      %dma_start3A_56 = arith.constant 0 : i32
      %dma_start3A_57 = arith.constant 0 : i32
      %dma_start3A_58 = tpu.memref_slice %arg6[%dma_start3A_56, %dma_start3A_57] : memref<10240x128xf32, #tpu.memory_space<vmem_shared>> -> memref<10240x128xf32, #tpu.memory_space<vmem_shared>>
      %dma_start3A_59 = tpu.memref_slice %arg9[%dma_start3A_52] : memref<5x!tpu.dma_semaphore, #tpu.memory_space<semaphore_mem>> -> memref<1x!tpu.dma_semaphore, #tpu.memory_space<semaphore_mem>>
      %dma_start3A_60 = tpu.memref_squeeze %dma_start3A_59 : memref<1x!tpu.dma_semaphore, #tpu.memory_space<semaphore_mem>> -> memref<!tpu.dma_semaphore, #tpu.memory_space<semaphore_mem>>
      tpu.enqueue_indirect_dma source(%arg8 : memref<128x128xf32, #tpu.memory_space<vmem>>) target(%dma_start3A_58 : memref<10240x128xf32, #tpu.memory_space<vmem_shared>>) offsets(%dma_start3A_55 : memref<128xi32, #tpu.memory_space<vmem>>) semaphore(%dma_start3A_60 : memref<!tpu.dma_semaphore, #tpu.memory_space<semaphore_mem>>) {add = true}
      %add3A_61 = arith.constant 4 : i32
      %add3A_62 = arith.addi %mul3A_17, %add3A_61 : i32
      %dma_start3A_63 = arith.constant 4 : i32
      %dma_start3A_64 = arith.constant 0 : i32
      %dma_start3A_65 = tpu.memref_slice %arg7[%add3A_62, %dma_start3A_64] : memref<80x128xi32, #tpu.memory_space<vmem>> -> memref<1x128xi32, #tpu.memory_space<vmem>>
      %dma_start3A_66 = tpu.memref_squeeze %dma_start3A_65 : memref<1x128xi32, #tpu.memory_space<vmem>> -> memref<128xi32, #tpu.memory_space<vmem>>
      %dma_start3A_67 = arith.constant 0 : i32
      %dma_start3A_68 = arith.constant 0 : i32
      %dma_start3A_69 = tpu.memref_slice %arg6[%dma_start3A_67, %dma_start3A_68] : memref<10240x128xf32, #tpu.memory_space<vmem_shared>> -> memref<10240x128xf32, #tpu.memory_space<vmem_shared>>
      %dma_start3A_70 = tpu.memref_slice %arg9[%dma_start3A_63] : memref<5x!tpu.dma_semaphore, #tpu.memory_space<semaphore_mem>> -> memref<1x!tpu.dma_semaphore, #tpu.memory_space<semaphore_mem>>
      %dma_start3A_71 = tpu.memref_squeeze %dma_start3A_70 : memref<1x!tpu.dma_semaphore, #tpu.memory_space<semaphore_mem>> -> memref<!tpu.dma_semaphore, #tpu.memory_space<semaphore_mem>>
      tpu.enqueue_indirect_dma source(%arg8 : memref<128x128xf32, #tpu.memory_space<vmem>>) target(%dma_start3A_69 : memref<10240x128xf32, #tpu.memory_space<vmem_shared>>) offsets(%dma_start3A_66 : memref<128xi32, #tpu.memory_space<vmem>>) semaphore(%dma_start3A_71 : memref<!tpu.dma_semaphore, #tpu.memory_space<semaphore_mem>>) {add = true}
      %dma_wait3A = arith.constant 0 : i32
      %dma_wait3A_72 = arith.constant 0 : i32
      %dma_wait3A_73 = tpu.memref_slice %arg7[%add3A_19, %dma_wait3A_72] : memref<80x128xi32, #tpu.memory_space<vmem>> -> memref<1x128xi32, #tpu.memory_space<vmem>>
      %dma_wait3A_74 = tpu.memref_squeeze %dma_wait3A_73 : memref<1x128xi32, #tpu.memory_space<vmem>> -> memref<128xi32, #tpu.memory_space<vmem>>
      %dma_wait3A_75 = arith.constant 0 : i32
      %dma_wait3A_76 = arith.constant 0 : i32
      %dma_wait3A_77 = tpu.memref_slice %arg6[%dma_wait3A_75, %dma_wait3A_76] : memref<10240x128xf32, #tpu.memory_space<vmem_shared>> -> memref<10240x128xf32, #tpu.memory_space<vmem_shared>>
      %dma_wait3A_78 = tpu.memref_slice %arg9[%dma_wait3A] : memref<5x!tpu.dma_semaphore, #tpu.memory_space<semaphore_mem>> -> memref<1x!tpu.dma_semaphore, #tpu.memory_space<semaphore_mem>>
      %dma_wait3A_79 = tpu.memref_squeeze %dma_wait3A_78 : memref<1x!tpu.dma_semaphore, #tpu.memory_space<semaphore_mem>> -> memref<!tpu.dma_semaphore, #tpu.memory_space<semaphore_mem>>
      tpu.wait_indirect_dma semaphore(%dma_wait3A_79 : memref<!tpu.dma_semaphore, #tpu.memory_space<semaphore_mem>>) src(%arg8 : memref<128x128xf32, #tpu.memory_space<vmem>>) dst(%dma_wait3A_77 : memref<10240x128xf32, #tpu.memory_space<vmem_shared>>)
      %dma_wait3A_80 = arith.constant 1 : i32
      %dma_wait3A_81 = arith.constant 0 : i32
      %dma_wait3A_82 = tpu.memref_slice %arg7[%add3A_29, %dma_wait3A_81] : memref<80x128xi32, #tpu.memory_space<vmem>> -> memref<1x128xi32, #tpu.memory_space<vmem>>
      %dma_wait3A_83 = tpu.memref_squeeze %dma_wait3A_82 : memref<1x128xi32, #tpu.memory_space<vmem>> -> memref<128xi32, #tpu.memory_space<vmem>>
      %dma_wait3A_84 = arith.constant 0 : i32
      %dma_wait3A_85 = arith.constant 0 : i32
      %dma_wait3A_86 = tpu.memref_slice %arg6[%dma_wait3A_84, %dma_wait3A_85] : memref<10240x128xf32, #tpu.memory_space<vmem_shared>> -> memref<10240x128xf32, #tpu.memory_space<vmem_shared>>
      %dma_wait3A_87 = tpu.memref_slice %arg9[%dma_wait3A_80] : memref<5x!tpu.dma_semaphore, #tpu.memory_space<semaphore_mem>> -> memref<1x!tpu.dma_semaphore, #tpu.memory_space<semaphore_mem>>
      %dma_wait3A_88 = tpu.memref_squeeze %dma_wait3A_87 : memref<1x!tpu.dma_semaphore, #tpu.memory_space<semaphore_mem>> -> memref<!tpu.dma_semaphore, #tpu.memory_space<semaphore_mem>>
      tpu.wait_indirect_dma semaphore(%dma_wait3A_88 : memref<!tpu.dma_semaphore, #tpu.memory_space<semaphore_mem>>) src(%arg8 : memref<128x128xf32, #tpu.memory_space<vmem>>) dst(%dma_wait3A_86 : memref<10240x128xf32, #tpu.memory_space<vmem_shared>>)
      %dma_wait3A_89 = arith.constant 2 : i32
      %dma_wait3A_90 = arith.constant 0 : i32
      %dma_wait3A_91 = tpu.memref_slice %arg7[%add3A_40, %dma_wait3A_90] : memref<80x128xi32, #tpu.memory_space<vmem>> -> memref<1x128xi32, #tpu.memory_space<vmem>>
      %dma_wait3A_92 = tpu.memref_squeeze %dma_wait3A_91 : memref<1x128xi32, #tpu.memory_space<vmem>> -> memref<128xi32, #tpu.memory_space<vmem>>
      %dma_wait3A_93 = arith.constant 0 : i32
      %dma_wait3A_94 = arith.constant 0 : i32
      %dma_wait3A_95 = tpu.memref_slice %arg6[%dma_wait3A_93, %dma_wait3A_94] : memref<10240x128xf32, #tpu.memory_space<vmem_shared>> -> memref<10240x128xf32, #tpu.memory_space<vmem_shared>>
      %dma_wait3A_96 = tpu.memref_slice %arg9[%dma_wait3A_89] : memref<5x!tpu.dma_semaphore, #tpu.memory_space<semaphore_mem>> -> memref<1x!tpu.dma_semaphore, #tpu.memory_space<semaphore_mem>>
      %dma_wait3A_97 = tpu.memref_squeeze %dma_wait3A_96 : memref<1x!tpu.dma_semaphore, #tpu.memory_space<semaphore_mem>> -> memref<!tpu.dma_semaphore, #tpu.memory_space<semaphore_mem>>
      tpu.wait_indirect_dma semaphore(%dma_wait3A_97 : memref<!tpu.dma_semaphore, #tpu.memory_space<semaphore_mem>>) src(%arg8 : memref<128x128xf32, #tpu.memory_space<vmem>>) dst(%dma_wait3A_95 : memref<10240x128xf32, #tpu.memory_space<vmem_shared>>)
      %dma_wait3A_98 = arith.constant 3 : i32
      %dma_wait3A_99 = arith.constant 0 : i32
      %dma_wait3A_100 = tpu.memref_slice %arg7[%add3A_51, %dma_wait3A_99] : memref<80x128xi32, #tpu.memory_space<vmem>> -> memref<1x128xi32, #tpu.memory_space<vmem>>
      %dma_wait3A_101 = tpu.memref_squeeze %dma_wait3A_100 : memref<1x128xi32, #tpu.memory_space<vmem>> -> memref<128xi32, #tpu.memory_space<vmem>>
      %dma_wait3A_102 = arith.constant 0 : i32
      %dma_wait3A_103 = arith.constant 0 : i32
      %dma_wait3A_104 = tpu.memref_slice %arg6[%dma_wait3A_102, %dma_wait3A_103] : memref<10240x128xf32, #tpu.memory_space<vmem_shared>> -> memref<10240x128xf32, #tpu.memory_space<vmem_shared>>
      %dma_wait3A_105 = tpu.memref_slice %arg9[%dma_wait3A_98] : memref<5x!tpu.dma_semaphore, #tpu.memory_space<semaphore_mem>> -> memref<1x!tpu.dma_semaphore, #tpu.memory_space<semaphore_mem>>
      %dma_wait3A_106 = tpu.memref_squeeze %dma_wait3A_105 : memref<1x!tpu.dma_semaphore, #tpu.memory_space<semaphore_mem>> -> memref<!tpu.dma_semaphore, #tpu.memory_space<semaphore_mem>>
      tpu.wait_indirect_dma semaphore(%dma_wait3A_106 : memref<!tpu.dma_semaphore, #tpu.memory_space<semaphore_mem>>) src(%arg8 : memref<128x128xf32, #tpu.memory_space<vmem>>) dst(%dma_wait3A_104 : memref<10240x128xf32, #tpu.memory_space<vmem_shared>>)
      %dma_wait3A_107 = arith.constant 4 : i32
      %dma_wait3A_108 = arith.constant 0 : i32
      %dma_wait3A_109 = tpu.memref_slice %arg7[%add3A_62, %dma_wait3A_108] : memref<80x128xi32, #tpu.memory_space<vmem>> -> memref<1x128xi32, #tpu.memory_space<vmem>>
      %dma_wait3A_110 = tpu.memref_squeeze %dma_wait3A_109 : memref<1x128xi32, #tpu.memory_space<vmem>> -> memref<128xi32, #tpu.memory_space<vmem>>
      %dma_wait3A_111 = arith.constant 0 : i32
      %dma_wait3A_112 = arith.constant 0 : i32
      %dma_wait3A_113 = tpu.memref_slice %arg6[%dma_wait3A_111, %dma_wait3A_112] : memref<10240x128xf32, #tpu.memory_space<vmem_shared>> -> memref<10240x128xf32, #tpu.memory_space<vmem_shared>>
      %dma_wait3A_114 = tpu.memref_slice %arg9[%dma_wait3A_107] : memref<5x!tpu.dma_semaphore, #tpu.memory_space<semaphore_mem>> -> memref<1x!tpu.dma_semaphore, #tpu.memory_space<semaphore_mem>>
      %dma_wait3A_115 = tpu.memref_squeeze %dma_wait3A_114 : memref<1x!tpu.dma_semaphore, #tpu.memory_space<semaphore_mem>> -> memref<!tpu.dma_semaphore, #tpu.memory_space<semaphore_mem>>
      tpu.wait_indirect_dma semaphore(%dma_wait3A_115 : memref<!tpu.dma_semaphore, #tpu.memory_space<semaphore_mem>>) src(%arg8 : memref<128x128xf32, #tpu.memory_space<vmem>>) dst(%dma_wait3A_113 : memref<10240x128xf32, #tpu.memory_space<vmem_shared>>)
    }
    %scan3A_9 = arith.constant 16 : i32
    %barrier3A_10 = arith.constant 0 : index
    tpu.barrier barrier_id(%barrier3A_10)
    %mul3A_11 = arith.constant 640 : i32
    %mul3A_12 = arith.muli %arg1, %mul3A_11 : i32
    %mul3A_13 = arith.constant 640 : i32
    %mul3A_14 = arith.muli %arg1, %mul3A_13 : i32
    "tpu.region"() ({
      %run_scoped3A = tpu.sem_alloc : memref<!tpu.dma_semaphore, #tpu.memory_space<semaphore_mem>>
      %dma_start3A = arith.constant 0 : i32
      %dma_start3A_15 = tpu.memref_slice %arg5[%arg0, %mul3A_14, %dma_start3A] : memref<2x10240x128xf32, #tpu.memory_space<hbm>> -> memref<1x640x128xf32, #tpu.memory_space<hbm>>
      %dma_start3A_16 = tpu.memref_squeeze %dma_start3A_15 : memref<1x640x128xf32, #tpu.memory_space<hbm>> -> memref<640x128xf32, #tpu.memory_space<hbm>>
      %dma_start3A_17 = arith.constant 0 : i32
      %dma_start3A_18 = tpu.memref_slice %arg6[%mul3A_12, %dma_start3A_17] : memref<10240x128xf32, #tpu.memory_space<vmem_shared>> -> memref<640x128xf32, #tpu.memory_space<vmem_shared>>
      tpu.enqueue_dma source(%dma_start3A_18 : memref<640x128xf32, #tpu.memory_space<vmem_shared>>) target(%dma_start3A_16 : memref<640x128xf32, #tpu.memory_space<hbm>>) target_semaphore(%run_scoped3A : memref<!tpu.dma_semaphore, #tpu.memory_space<semaphore_mem>>)
      %dma_wait3A = arith.constant 0 : i32
      %dma_wait3A_19 = tpu.memref_slice %arg5[%arg0, %mul3A_14, %dma_wait3A] : memref<2x10240x128xf32, #tpu.memory_space<hbm>> -> memref<1x640x128xf32, #tpu.memory_space<hbm>>
      %dma_wait3A_20 = tpu.memref_squeeze %dma_wait3A_19 : memref<1x640x128xf32, #tpu.memory_space<hbm>> -> memref<640x128xf32, #tpu.memory_space<hbm>>
      %dma_wait3A_21 = arith.constant 0 : i32
      %dma_wait3A_22 = tpu.memref_slice %arg6[%mul3A_12, %dma_wait3A_21] : memref<10240x128xf32, #tpu.memory_space<vmem_shared>> -> memref<640x128xf32, #tpu.memory_space<vmem_shared>>
      tpu.wait_dma2 semaphore(%run_scoped3A : memref<!tpu.dma_semaphore, #tpu.memory_space<semaphore_mem>>) src(%dma_wait3A_22 : memref<640x128xf32, #tpu.memory_space<vmem_shared>>) dst(%dma_wait3A_20 : memref<640x128xf32, #tpu.memory_space<hbm>>)
      tpu.yield
    }) : () -> ()
    return
  }
}

module attributes {stable_mosaic.version = 14 : i64} {
  func.func @body(%arg0: i32, %arg1: memref<2048x128xf32, #tpu.memory_space<vmem>>, %arg2: memref<128x128xf32, #tpu.memory_space<vmem>>, %arg3: memref<128x128xf32, #tpu.memory_space<vmem>>, %arg4: memref<1x128xf32, #tpu.memory_space<vmem>>, %arg5: memref<2x2048x128xf32, #tpu.memory_space<vmem>>, %arg6: memref<2048x128xf32, #tpu.memory_space<vmem>>) attributes {dimension_semantics = [#tpu.dimension_semantics<arbitrary>], iteration_bounds = array<i64: 5>, scalar_prefetch = 0 : i64, scratch_operands = 0 : i64, tpu.core_type = #tpu.core_type<tc>, window_params = [{transform_indices = @transform_0, window_bounds = array<i64: 2048, 128>}, {pipeline_mode = #tpu.pipeline_mode<synchronous>, transform_indices = @transform_1, window_bounds = array<i64: 128, 128>}, {pipeline_mode = #tpu.pipeline_mode<synchronous>, transform_indices = @transform_2, window_bounds = array<i64: 128, 128>}, {pipeline_mode = #tpu.pipeline_mode<synchronous>, transform_indices = @transform_3, window_bounds = array<i64: 1, 128>}, {transform_indices = @transform_4, window_bounds = array<i64: 2, 2048, 128>}, {transform_indices = @transform_5, window_bounds = array<i64: 2048, 128>}]} {
    %get3A = arith.constant 0 : index
    %get3A_0 = arith.constant 0 : index
    %get3A_1 = vector.load %arg1[%get3A, %get3A_0] : memref<2048x128xf32, #tpu.memory_space<vmem>>, vector<2048x128xf32>
    %get3A_2 = arith.constant 0 : index
    %get3A_3 = arith.constant 0 : index
    %get3A_4 = vector.load %arg2[%get3A_2, %get3A_3] : memref<128x128xf32, #tpu.memory_space<vmem>>, vector<128x128xf32>
    %dot_general3A = arith.constant dense<0.000000e+00> : vector<2048x128xf32>
    %dot_general3A_5 = tpu.matmul %get3A_1, %get3A_4, %dot_general3A {dimension_numbers = #tpu.dot_dimension_numbers<[1], [0], [0], [1], [0, 0, 1, 1], [], []>, transpose_lhs_hint = false} : vector<2048x128xf32>, vector<128x128xf32>, vector<2048x128xf32> -> vector<2048x128xf32>
    %broadcast_in_dim3A = vector.shape_cast %dot_general3A_5 : vector<2048x128xf32> to vector<1x2048x128xf32>
    %broadcast_in_dim3A_6 = vector.shape_cast %broadcast_in_dim3A : vector<1x2048x128xf32> to vector<1x2048x128xf32>
    %broadcast_in_dim3A_7 = vector.broadcast %broadcast_in_dim3A_6 : vector<1x2048x128xf32> to vector<2x2048x128xf32>
    %swap3A = arith.constant 0 : index
    %swap3A_8 = arith.constant 0 : index
    %swap3A_9 = arith.constant 0 : index
    %swap3A_10 = vector.load %arg5[%swap3A, %swap3A_8, %swap3A_9] : memref<2x2048x128xf32, #tpu.memory_space<vmem>>, vector<2x2048x128xf32>
    tpu.vector_store %arg5[%swap3A, %swap3A_8, %swap3A_9], %broadcast_in_dim3A_7 {strides = array<i32>} : memref<2x2048x128xf32, #tpu.memory_space<vmem>>, vector<2x2048x128xf32>,
    %get3A_11 = arith.constant 0 : index
    %get3A_12 = arith.constant 0 : index
    %get3A_13 = vector.load %arg3[%get3A_11, %get3A_12] : memref<128x128xf32, #tpu.memory_space<vmem>>, vector<128x128xf32>
    %dot_general3A_14 = arith.constant dense<0.000000e+00> : vector<2048x128xf32>
    %dot_general3A_15 = tpu.matmul %get3A_1, %get3A_13, %dot_general3A_14 {dimension_numbers = #tpu.dot_dimension_numbers<[1], [0], [0], [1], [0, 0, 1, 1], [], []>, transpose_lhs_hint = false} : vector<2048x128xf32>, vector<128x128xf32>, vector<2048x128xf32> -> vector<2048x128xf32>
    %get3A_16 = arith.constant 0 : index
    %get3A_17 = arith.constant 0 : index
    %get3A_18 = vector.load %arg4[%get3A_16, %get3A_17] : memref<1x128xf32, #tpu.memory_space<vmem>>, vector<1x128xf32>
    %add3A = vector.broadcast %get3A_18 : vector<1x128xf32> to vector<2048x128xf32>
    %add3A_19 = arith.addf %dot_general3A_15, %add3A : vector<2048x128xf32>
    %swap3A_20 = arith.constant 0 : index
    %swap3A_21 = arith.constant 0 : index
    %swap3A_22 = vector.load %arg6[%swap3A_20, %swap3A_21] : memref<2048x128xf32, #tpu.memory_space<vmem>>, vector<2048x128xf32>
    tpu.vector_store %arg6[%swap3A_20, %swap3A_21], %add3A_19 {strides = array<i32>} : memref<2048x128xf32, #tpu.memory_space<vmem>>, vector<2048x128xf32>,
    return
  }
  func.func @transform_0(%arg0: i32) -> (i32, i32) {
    %c0_i32 = arith.constant 0 : i32
    %c0_i32_0 = arith.constant 0 : i32
    return %arg0, %c0_i32 : i32, i32
  }
  func.func @transform_1(%arg0: i32) -> (i32, i32) {
    %c0_i32 = arith.constant 0 : i32
    %c0_i32_0 = arith.constant 0 : i32
    %c0_i32_1 = arith.constant 0 : i32
    return %c0_i32, %c0_i32_0 : i32, i32
  }
  func.func @transform_2(%arg0: i32) -> (i32, i32) {
    %c0_i32 = arith.constant 0 : i32
    %c0_i32_0 = arith.constant 0 : i32
    %c0_i32_1 = arith.constant 0 : i32
    return %c0_i32, %c0_i32_0 : i32, i32
  }
  func.func @transform_3(%arg0: i32) -> (i32, i32) {
    %c0_i32 = arith.constant 0 : i32
    %c0_i32_0 = arith.constant 0 : i32
    %c0_i32_1 = arith.constant 0 : i32
    return %c0_i32, %c0_i32_0 : i32, i32
  }
  func.func @transform_4(%arg0: i32) -> (i32, i32, i32) {
    %c0_i32 = arith.constant 0 : i32
    %c0_i32_0 = arith.constant 0 : i32
    %c0_i32_1 = arith.constant 0 : i32
    return %c0_i32, %arg0, %c0_i32_0 : i32, i32, i32
  }
  func.func @transform_5(%arg0: i32) -> (i32, i32) {
    %c0_i32 = arith.constant 0 : i32
    %c0_i32_0 = arith.constant 0 : i32
    return %arg0, %c0_i32 : i32, i32
  }
}

module attributes {stable_mosaic.version = 14 : i64} {
  func.func @body(%arg0: i32, %arg1: memref<2x2048x128xf32, #tpu.memory_space<vmem>>, %arg2: memref<2x2048x128xf32, #tpu.memory_space<vmem>>, %arg3: memref<2048x128xf32, #tpu.memory_space<vmem>>, %arg4: memref<128x128xf32, #tpu.memory_space<vmem>>, %arg5: memref<128x128xf32, #tpu.memory_space<vmem>>, %arg6: memref<1x128xf32, #tpu.memory_space<vmem>>, %arg7: memref<2x2048x128xf32, #tpu.memory_space<vmem>>, %arg8: memref<2048x128xf32, #tpu.memory_space<vmem>>) attributes {dimension_semantics = [#tpu.dimension_semantics<arbitrary>], iteration_bounds = array<i64: 5>, scalar_prefetch = 0 : i64, scratch_operands = 0 : i64, tpu.core_type = #tpu.core_type<tc>, window_params = [{transform_indices = @transform_0, window_bounds = array<i64: 2, 2048, 128>}, {transform_indices = @transform_1, window_bounds = array<i64: 2, 2048, 128>}, {transform_indices = @transform_2, window_bounds = array<i64: 2048, 128>}, {pipeline_mode = #tpu.pipeline_mode<synchronous>, transform_indices = @transform_3, window_bounds = array<i64: 128, 128>}, {pipeline_mode = #tpu.pipeline_mode<synchronous>, transform_indices = @transform_4, window_bounds = array<i64: 128, 128>}, {pipeline_mode = #tpu.pipeline_mode<synchronous>, transform_indices = @transform_5, window_bounds = array<i64: 1, 128>}, {transform_indices = @transform_6, window_bounds = array<i64: 2, 2048, 128>}, {transform_indices = @transform_7, window_bounds = array<i64: 2048, 128>}]} {
    %get3A = arith.constant 0 : index
    %get3A_0 = arith.constant 0 : index
    %get3A_1 = arith.constant 0 : index
    %get3A_2 = vector.load %arg1[%get3A, %get3A_0, %get3A_1] : memref<2x2048x128xf32, #tpu.memory_space<vmem>>, vector<1x2048x128xf32>
    %get3A_3 = vector.shape_cast %get3A_2 : vector<1x2048x128xf32> to vector<2048x128xf32>
    %get3A_4 = arith.constant 1 : index
    %get3A_5 = arith.constant 0 : index
    %get3A_6 = arith.constant 0 : index
    %get3A_7 = vector.load %arg1[%get3A_4, %get3A_5, %get3A_6] : memref<2x2048x128xf32, #tpu.memory_space<vmem>>, vector<1x2048x128xf32>
    %get3A_8 = vector.shape_cast %get3A_7 : vector<1x2048x128xf32> to vector<2048x128xf32>
    %add3A = arith.addf %get3A_3, %get3A_8 : vector<2048x128xf32>
    %get3A_9 = arith.constant 0 : index
    %get3A_10 = arith.constant 0 : index
    %get3A_11 = arith.constant 0 : index
    %get3A_12 = vector.load %arg2[%get3A_9, %get3A_10, %get3A_11] : memref<2x2048x128xf32, #tpu.memory_space<vmem>>, vector<1x2048x128xf32>
    %get3A_13 = vector.shape_cast %get3A_12 : vector<1x2048x128xf32> to vector<2048x128xf32>
    %slice3A = vector.extract_strided_slice %get3A_13 {offsets = [0, 0], sizes = [2048, 1], strides = [1, 1]} : vector<2048x128xf32> to vector<2048x1xf32>
    %get3A_14 = arith.constant 1 : index
    %get3A_15 = arith.constant 0 : index
    %get3A_16 = arith.constant 0 : index
    %get3A_17 = vector.load %arg2[%get3A_14, %get3A_15, %get3A_16] : memref<2x2048x128xf32, #tpu.memory_space<vmem>>, vector<1x2048x128xf32>
    %get3A_18 = vector.shape_cast %get3A_17 : vector<1x2048x128xf32> to vector<2048x128xf32>
    %slice3A_19 = vector.extract_strided_slice %get3A_18 {offsets = [0, 0], sizes = [2048, 1], strides = [1, 1]} : vector<2048x128xf32> to vector<2048x1xf32>
    %add3A_20 = arith.addf %slice3A, %slice3A_19 : vector<2048x1xf32>
    %max3A = arith.constant 1.000000e+00 : f32
    %max3A_21 = vector.broadcast %max3A : f32 to vector<2048x1xf32>
    %max3A_22 = arith.maximumf %add3A_20, %max3A_21 : vector<2048x1xf32>
    %div3A = arith.constant 1.000000e+00 : f32
    %div3A_23 = vector.broadcast %div3A : f32 to vector<2048x1xf32>
    %div3A_24 = arith.divf %div3A_23, %max3A_22 : vector<2048x1xf32>
    %mul3A = vector.broadcast %div3A_24 : vector<2048x1xf32> to vector<2048x128xf32>
    %mul3A_25 = arith.mulf %add3A, %mul3A : vector<2048x128xf32>
    %get3A_26 = arith.constant 0 : index
    %get3A_27 = arith.constant 0 : index
    %get3A_28 = vector.load %arg3[%get3A_26, %get3A_27] : memref<2048x128xf32, #tpu.memory_space<vmem>>, vector<2048x128xf32>
    %add3A_29 = arith.addf %mul3A_25, %get3A_28 : vector<2048x128xf32>
    %max3A_30 = arith.constant 0.000000e+00 : f32
    %max3A_31 = vector.broadcast %max3A_30 : f32 to vector<2048x128xf32>
    %max3A_32 = arith.maximumf %add3A_29, %max3A_31 : vector<2048x128xf32>
    %get3A_33 = arith.constant 0 : index
    %get3A_34 = arith.constant 0 : index
    %get3A_35 = vector.load %arg4[%get3A_33, %get3A_34] : memref<128x128xf32, #tpu.memory_space<vmem>>, vector<128x128xf32>
    %dot_general3A = arith.constant dense<0.000000e+00> : vector<2048x128xf32>
    %dot_general3A_36 = tpu.matmul %max3A_32, %get3A_35, %dot_general3A {dimension_numbers = #tpu.dot_dimension_numbers<[1], [0], [0], [1], [0, 0, 1, 1], [], []>, transpose_lhs_hint = false} : vector<2048x128xf32>, vector<128x128xf32>, vector<2048x128xf32> -> vector<2048x128xf32>
    %broadcast_in_dim3A = vector.shape_cast %dot_general3A_36 : vector<2048x128xf32> to vector<1x2048x128xf32>
    %broadcast_in_dim3A_37 = vector.shape_cast %broadcast_in_dim3A : vector<1x2048x128xf32> to vector<1x2048x128xf32>
    %broadcast_in_dim3A_38 = vector.broadcast %broadcast_in_dim3A_37 : vector<1x2048x128xf32> to vector<2x2048x128xf32>
    %swap3A = arith.constant 0 : index
    %swap3A_39 = arith.constant 0 : index
    %swap3A_40 = arith.constant 0 : index
    %swap3A_41 = vector.load %arg7[%swap3A, %swap3A_39, %swap3A_40] : memref<2x2048x128xf32, #tpu.memory_space<vmem>>, vector<2x2048x128xf32>
    tpu.vector_store %arg7[%swap3A, %swap3A_39, %swap3A_40], %broadcast_in_dim3A_38 {strides = array<i32>} : memref<2x2048x128xf32, #tpu.memory_space<vmem>>, vector<2x2048x128xf32>,
    %get3A_42 = arith.constant 0 : index
    %get3A_43 = arith.constant 0 : index
    %get3A_44 = vector.load %arg5[%get3A_42, %get3A_43] : memref<128x128xf32, #tpu.memory_space<vmem>>, vector<128x128xf32>
    %dot_general3A_45 = arith.constant dense<0.000000e+00> : vector<2048x128xf32>
    %dot_general3A_46 = tpu.matmul %max3A_32, %get3A_44, %dot_general3A_45 {dimension_numbers = #tpu.dot_dimension_numbers<[1], [0], [0], [1], [0, 0, 1, 1], [], []>, transpose_lhs_hint = false} : vector<2048x128xf32>, vector<128x128xf32>, vector<2048x128xf32> -> vector<2048x128xf32>
    %get3A_47 = arith.constant 0 : index
    %get3A_48 = arith.constant 0 : index
    %get3A_49 = vector.load %arg6[%get3A_47, %get3A_48] : memref<1x128xf32, #tpu.memory_space<vmem>>, vector<1x128xf32>
    %add3A_50 = vector.broadcast %get3A_49 : vector<1x128xf32> to vector<2048x128xf32>
    %add3A_51 = arith.addf %dot_general3A_46, %add3A_50 : vector<2048x128xf32>
    %swap3A_52 = arith.constant 0 : index
    %swap3A_53 = arith.constant 0 : index
    %swap3A_54 = vector.load %arg8[%swap3A_52, %swap3A_53] : memref<2048x128xf32, #tpu.memory_space<vmem>>, vector<2048x128xf32>
    tpu.vector_store %arg8[%swap3A_52, %swap3A_53], %add3A_51 {strides = array<i32>} : memref<2048x128xf32, #tpu.memory_space<vmem>>, vector<2048x128xf32>,
    return
  }
  func.func @transform_0(%arg0: i32) -> (i32, i32, i32) {
    %c0_i32 = arith.constant 0 : i32
    %c0_i32_0 = arith.constant 0 : i32
    %c0_i32_1 = arith.constant 0 : i32
    return %c0_i32, %arg0, %c0_i32_0 : i32, i32, i32
  }
  func.func @transform_1(%arg0: i32) -> (i32, i32, i32) {
    %c0_i32 = arith.constant 0 : i32
    %c0_i32_0 = arith.constant 0 : i32
    %c0_i32_1 = arith.constant 0 : i32
    return %c0_i32, %arg0, %c0_i32_0 : i32, i32, i32
  }
  func.func @transform_2(%arg0: i32) -> (i32, i32) {
    %c0_i32 = arith.constant 0 : i32
    %c0_i32_0 = arith.constant 0 : i32
    return %arg0, %c0_i32 : i32, i32
  }
  func.func @transform_3(%arg0: i32) -> (i32, i32) {
    %c0_i32 = arith.constant 0 : i32
    %c0_i32_0 = arith.constant 0 : i32
    %c0_i32_1 = arith.constant 0 : i32
    return %c0_i32, %c0_i32_0 : i32, i32
  }
  func.func @transform_4(%arg0: i32) -> (i32, i32) {
    %c0_i32 = arith.constant 0 : i32
    %c0_i32_0 = arith.constant 0 : i32
    %c0_i32_1 = arith.constant 0 : i32
    return %c0_i32, %c0_i32_0 : i32, i32
  }
  func.func @transform_5(%arg0: i32) -> (i32, i32) {
    %c0_i32 = arith.constant 0 : i32
    %c0_i32_0 = arith.constant 0 : i32
    %c0_i32_1 = arith.constant 0 : i32
    return %c0_i32, %c0_i32_0 : i32, i32
  }
  func.func @transform_6(%arg0: i32) -> (i32, i32, i32) {
    %c0_i32 = arith.constant 0 : i32
    %c0_i32_0 = arith.constant 0 : i32
    %c0_i32_1 = arith.constant 0 : i32
    return %c0_i32, %arg0, %c0_i32_0 : i32, i32, i32
  }
  func.func @transform_7(%arg0: i32) -> (i32, i32) {
    %c0_i32 = arith.constant 0 : i32
    %c0_i32_0 = arith.constant 0 : i32
    return %arg0, %c0_i32 : i32, i32
  }
}

module attributes {stable_mosaic.version = 14 : i64} {
  func.func @body(%arg0: i32, %arg1: memref<2x2048x128xf32, #tpu.memory_space<vmem>>, %arg2: memref<2x2048x128xf32, #tpu.memory_space<vmem>>, %arg3: memref<2048x128xf32, #tpu.memory_space<vmem>>, %arg4: memref<2048x64xf32, #tpu.memory_space<vmem>>) attributes {dimension_semantics = [#tpu.dimension_semantics<arbitrary>], iteration_bounds = array<i64: 5>, scalar_prefetch = 0 : i64, scratch_operands = 0 : i64, tpu.core_type = #tpu.core_type<tc>, window_params = [{transform_indices = @transform_0, window_bounds = array<i64: 2, 2048, 128>}, {transform_indices = @transform_1, window_bounds = array<i64: 2, 2048, 128>}, {transform_indices = @transform_2, window_bounds = array<i64: 2048, 128>}, {transform_indices = @transform_3, window_bounds = array<i64: 2048, 64>}]} {
    %get3A = arith.constant 0 : index
    %get3A_0 = arith.constant 0 : index
    %get3A_1 = arith.constant 0 : index
    %get3A_2 = vector.load %arg1[%get3A, %get3A_0, %get3A_1] : memref<2x2048x128xf32, #tpu.memory_space<vmem>>, vector<1x2048x128xf32>
    %get3A_3 = vector.shape_cast %get3A_2 : vector<1x2048x128xf32> to vector<2048x128xf32>
    %get3A_4 = arith.constant 1 : index
    %get3A_5 = arith.constant 0 : index
    %get3A_6 = arith.constant 0 : index
    %get3A_7 = vector.load %arg1[%get3A_4, %get3A_5, %get3A_6] : memref<2x2048x128xf32, #tpu.memory_space<vmem>>, vector<1x2048x128xf32>
    %get3A_8 = vector.shape_cast %get3A_7 : vector<1x2048x128xf32> to vector<2048x128xf32>
    %add3A = arith.addf %get3A_3, %get3A_8 : vector<2048x128xf32>
    %get3A_9 = arith.constant 0 : index
    %get3A_10 = arith.constant 0 : index
    %get3A_11 = arith.constant 0 : index
    %get3A_12 = vector.load %arg2[%get3A_9, %get3A_10, %get3A_11] : memref<2x2048x128xf32, #tpu.memory_space<vmem>>, vector<1x2048x128xf32>
    %get3A_13 = vector.shape_cast %get3A_12 : vector<1x2048x128xf32> to vector<2048x128xf32>
    %slice3A = vector.extract_strided_slice %get3A_13 {offsets = [0, 0], sizes = [2048, 1], strides = [1, 1]} : vector<2048x128xf32> to vector<2048x1xf32>
    %get3A_14 = arith.constant 1 : index
    %get3A_15 = arith.constant 0 : index
    %get3A_16 = arith.constant 0 : index
    %get3A_17 = vector.load %arg2[%get3A_14, %get3A_15, %get3A_16] : memref<2x2048x128xf32, #tpu.memory_space<vmem>>, vector<1x2048x128xf32>
    %get3A_18 = vector.shape_cast %get3A_17 : vector<1x2048x128xf32> to vector<2048x128xf32>
    %slice3A_19 = vector.extract_strided_slice %get3A_18 {offsets = [0, 0], sizes = [2048, 1], strides = [1, 1]} : vector<2048x128xf32> to vector<2048x1xf32>
    %add3A_20 = arith.addf %slice3A, %slice3A_19 : vector<2048x1xf32>
    %max3A = arith.constant 1.000000e+00 : f32
    %max3A_21 = vector.broadcast %max3A : f32 to vector<2048x1xf32>
    %max3A_22 = arith.maximumf %add3A_20, %max3A_21 : vector<2048x1xf32>
    %div3A = arith.constant 1.000000e+00 : f32
    %div3A_23 = vector.broadcast %div3A : f32 to vector<2048x1xf32>
    %div3A_24 = arith.divf %div3A_23, %max3A_22 : vector<2048x1xf32>
    %mul3A = vector.broadcast %div3A_24 : vector<2048x1xf32> to vector<2048x128xf32>
    %mul3A_25 = arith.mulf %add3A, %mul3A : vector<2048x128xf32>
    %get3A_26 = arith.constant 0 : index
    %get3A_27 = arith.constant 0 : index
    %get3A_28 = vector.load %arg3[%get3A_26, %get3A_27] : memref<2048x128xf32, #tpu.memory_space<vmem>>, vector<2048x128xf32>
    %add3A_29 = arith.addf %mul3A_25, %get3A_28 : vector<2048x128xf32>
    %slice3A_30 = vector.extract_strided_slice %add3A_29 {offsets = [0, 0], sizes = [2048, 64], strides = [1, 1]} : vector<2048x128xf32> to vector<2048x64xf32>
    %reduce_max3A = arith.constant dense<0xFF800000> : vector<2048xf32>
    %reduce_max3A_31 = vector.multi_reduction <maximumf>, %slice3A_30, %reduce_max3A [1] : vector<2048x64xf32> to vector<2048xf32>
    %broadcast_in_dim3A = vector.shape_cast %reduce_max3A_31 : vector<2048xf32> to vector<2048x1xf32>
    %sub3A = vector.broadcast %broadcast_in_dim3A : vector<2048x1xf32> to vector<2048x64xf32>
    %sub3A_32 = arith.subf %slice3A_30, %sub3A : vector<2048x64xf32>
    %exp3A = math.exp %sub3A_32 : vector<2048x64xf32>
    %reduce_sum3A = arith.constant dense<0.000000e+00> : vector<2048xf32>
    %reduce_sum3A_33 = vector.multi_reduction <add>, %exp3A, %reduce_sum3A [1] : vector<2048x64xf32> to vector<2048xf32>
    %broadcast_in_dim3A_34 = vector.shape_cast %reduce_sum3A_33 : vector<2048xf32> to vector<2048x1xf32>
    %log3A = math.log %broadcast_in_dim3A_34 : vector<2048x1xf32>
    %sub3A_35 = vector.broadcast %log3A : vector<2048x1xf32> to vector<2048x64xf32>
    %sub3A_36 = arith.subf %sub3A_32, %sub3A_35 : vector<2048x64xf32>
    %swap3A = arith.constant 0 : index
    %swap3A_37 = arith.constant 0 : index
    %swap3A_38 = vector.load %arg4[%swap3A, %swap3A_37] : memref<2048x64xf32, #tpu.memory_space<vmem>>, vector<2048x64xf32>
    tpu.vector_store %arg4[%swap3A, %swap3A_37], %sub3A_36 {strides = array<i32>} : memref<2048x64xf32, #tpu.memory_space<vmem>>, vector<2048x64xf32>,
    return
  }
  func.func @transform_0(%arg0: i32) -> (i32, i32, i32) {
    %c0_i32 = arith.constant 0 : i32
    %c0_i32_0 = arith.constant 0 : i32
    %c0_i32_1 = arith.constant 0 : i32
    return %c0_i32, %arg0, %c0_i32_0 : i32, i32, i32
  }
  func.func @transform_1(%arg0: i32) -> (i32, i32, i32) {
    %c0_i32 = arith.constant 0 : i32
    %c0_i32_0 = arith.constant 0 : i32
    %c0_i32_1 = arith.constant 0 : i32
    return %c0_i32, %arg0, %c0_i32_0 : i32, i32, i32
  }
  func.func @transform_2(%arg0: i32) -> (i32, i32) {
    %c0_i32 = arith.constant 0 : i32
    %c0_i32_0 = arith.constant 0 : i32
    return %arg0, %c0_i32 : i32, i32
  }
  func.func @transform_3(%arg0: i32) -> (i32, i32) {
    %c0_i32 = arith.constant 0 : i32
    %c0_i32_0 = arith.constant 0 : i32
    return %arg0, %c0_i32 : i32, i32
  }
}

</mosaic_0001>

<sc_bundles>
// kernel: kernel.10.cloned.1.call-start
scs
__scs_entry_jumppad:
0x0: {  	(pc) =	sbr.rel $0x88, $3  }
0x1: {  	(tag) =	ssettag $0x0;
	lr =	simm.s32 $0x1  }
0x2: {  	[smem:$0x3F96] =	sst lr;
	_ =	strace $0xD0000000  }
0x3: {  	_ = 	snop  }
0x4: {  	_ = 	snop  }
0x5: {  	_ = 	snop  }
0x6: {  	_ = 	snop  }
0x7: {  	_ = 	snop  }
__scs_overlays_trampoline_lowered:
0x8: {  	[smem:$0x3FA5] =	sst s0  }
0x9: {  	[smem:$0x3FA6] =	sst s1  }
0xa: {  	[smem:$0x3FA7] =	sst s2  }
0xb: {  	[smem:$0x3FA8] =	sst s3  }
0xc: {  	[smem:$0x3FA9] =	sst s4  }
0xd: {  	[smem:$0x3FAA] =	sst s5  }
0xe: {  	[smem:$0x3FAB] =	sst s6  }
0xf: {  	[smem:$0x3FAC] =	sst s7  }
0x10: {  	[smem:$0x3FAD] =	sst s8  }
0x11: {  	[smem:$0x3FAE] =	sst s9;
	s0 =	simm.s32 @!p0 $0x0  }
0x12: {  	s1 =	sld [smem:$0x3F94];
	s0 =	simm.s32 @p0 $0x1  }
0x13: {  	[smem:$0x3FAF] =	sst s0;
	s0 =	simm.s32 @!p1 $0x0  }
0x14: {  	s2 =	sld [smem:$0x3F93];
	s0 =	simm.s32 @p1 $0x1  }
0x15: {  	[smem:$0x3FB0] =	sst s0;
	s0 =	simm.s32 @!p2 $0x0  }
0x16: {  	s3 =	sld [smem:$0x3FDB];
	s0 =	simm.s32 @p2 $0x1  }
0x17: {  	s4 =	simm.s32 $0x1BF5;
	[smem:$0x3FB2] =	sst s0  }
0x18: {  	s0 =	sld [smem:$0x3F95];
	_ =	swait.ge [sflag:s4], $0x0  }
0x19: {  	s7 =	sld [smem:$0x3F96]  }
0x1a: {  	s8 =	sadd.s32 $0xFFFFE003, lr  }
0x1b: {  	s9 =	sadd.s32 $0xFFFFFEF7, lr;
	s5 =	simm.s32 $0xFFFFFFFF;
	p2 =	slt.u32 s8, $0xFFFFF086  }
0x1c: {  	p1 =	slt.u32 s9, $0xF7A;
	s5 =	simm.s32 @!p2 $0x0  }
0x1d: {  	s5 =	simm.s32 @p1 $0x1;
	p0 =	seq.s32 s7, s2  }
0x1e: {  	s7 =	smul.u32 @!p0 $0xF7A, s2;
	p2 =	seq.s32 @!p0 s5, $0x0  }
0x1f: {  	s9 =	smul.u32 $0xF7A, s1;
	s8 =	simm.s32 @!p0 $0x1BF5;
	p2 =	por !p2, p0  }
0x20: {  	[sflag:s8] =	ssyncset.s32 @!p0 $0xFFFFF086;
	s6 =	sadd.s32 @!p0 s3, s7;
	s7 =	simm.s32 @!p0 $0x108  }
0x21: {  	s3 =	sadd.s32 s3, s9;
	s6 =	sadd.s32 @!p0 $0x88, s6;
	s7 =	simm.s32 @p2 $0x1082  }
0x22: {  	[simem:s7], [sflag:s8] =	dma.local @!p0 [hbm:s6], $0xF7A  }
0x23: {  	s9 =	sor.u32 $0xD0000000, s2;
	s6 =	simm.s32 $0x108;
	_ =	swait.ge @!p0 [sflag:s8], $0x0  }
0x24: {  	s3 =	sadd.s32 $0x88, s3;
	s6 =	simm.s32 @!p1 $0x1082;
	[sflag:s4] =	ssyncset.s32 $0xFFFFF086  }
0x25: {  	[simem:s6], [sflag:s4] =	dma.local [hbm:s3], $0xF7A  }
0x26: {  	[smem:$0x3F96] =	sst s1;
	(tag) =	ssettag s2;
	_ =	strace s9  }
0x27: {  	s1 =	sld [smem:$0x3FA6]  }
0x28: {  	s2 =	sld [smem:$0x3FA7]  }
0x29: {  	s4 =	sld [smem:$0x3FA9]  }
0x2a: {  	p0 =	seq.s32 s5, $0x0;
	s5 =	sld [smem:$0x3FAA]  }
0x2b: {  	s6 =	sld [smem:$0x3FAB]  }
0x2c: {  	s7 =	sld [smem:$0x3FAC]  }
0x2d: {  	s3 =	simm.s32 $0x108;
	s8 =	sld [smem:$0x3FAD]  }
0x2e: {  	s3 =	simm.s32 @!p0 $0x1082;
	s9 =	sld [smem:$0x3FAE]  }
0x2f: {  	lr =	sadd.s32 s0, s3;
	s0 =	sld [smem:$0x3FA5]  }
0x30: {  	s3 =	sld [smem:$0x3FA8]  }
0x31: {  	[smem:$0x3FB1] =	sst s10  }
0x32: {  	s10 =	sld [smem:$0x3FAF];
	_ =	sdelay $0x3  }
0x33: {  	p0 =	seq.s32 s10, $0x1;
	s10 =	sld [smem:$0x3FB1];
	_ =	sdelay $0x3  }
0x34: {  	[smem:$0x3FB1] =	sst s10  }
0x35: {  	s10 =	sld [smem:$0x3FB0];
	_ =	sdelay $0x3  }
0x36: {  	p1 =	seq.s32 s10, $0x1;
	s10 =	sld [smem:$0x3FB1];
	_ =	sdelay $0x3  }
0x37: {  	[smem:$0x3FB1] =	sst s10  }
0x38: {  	s10 =	sld [smem:$0x3FB2]  }
0x39: {  	_ = 	snop;
	(pc) =	sbr.ind lr, $3  }
0x3a: {  	_ = 	snop  }
0x3b: {  	_ = 	snop  }
0x3c: {  	p2 =	seq.s32 s10, $0x1;
	s10 =	sld [smem:$0x3FB1]  }
0x3d: {  	_ =	shalt  }
0x3e: {  	_ =	shalt  }
0x3f: {  	_ =	shalt  }
0x40: {  	_ =	shalt  }
0x41: {  	_ =	shalt  }
0x42: {  	_ =	shalt  }
0x43: {  	_ =	shalt  }
0x44: {  	_ =	shalt  }
0x45: {  	_ =	shalt  }
0x46: {  	_ =	shalt  }
0x47: {  	_ =	shalt  }
0x48: {  	_ =	shalt  }
0x49: {  	_ =	shalt  }
0x4a: {  	_ =	shalt  }
0x4b: {  	_ =	shalt  }
0x4c: {  	_ =	shalt  }
0x4d: {  	_ =	shalt  }
0x4e: {  	_ =	shalt  }
0x4f: {  	_ =	shalt  }
0x50: {  	_ =	shalt  }
0x51: {  	_ =	shalt  }
0x52: {  	_ =	shalt  }
0x53: {  	_ =	shalt  }
0x54: {  	_ =	shalt  }
0x55: {  	_ =	shalt  }
0x56: {  	_ =	shalt  }
0x57: {  	_ =	shalt  }
0x58: {  	_ =	shalt  }
0x59: {  	_ =	shalt  }
0x5a: {  	_ =	shalt  }
0x5b: {  	_ =	shalt  }
0x5c: {  	_ =	shalt  }
0x5d: {  	_ =	shalt  }
0x5e: {  	_ =	shalt  }
0x5f: {  	_ =	shalt  }
0x60: {  	_ =	shalt  }
0x61: {  	_ =	shalt  }
0x62: {  	_ =	shalt  }
0x63: {  	_ =	shalt  }
0x64: {  	_ =	shalt  }
0x65: {  	_ =	shalt  }
0x66: {  	_ =	shalt  }
0x67: {  	_ =	shalt  }
0x68: {  	_ =	shalt  }
0x69: {  	_ =	shalt  }
0x6a: {  	_ =	shalt  }
0x6b: {  	_ =	shalt  }
0x6c: {  	_ =	shalt  }
0x6d: {  	_ =	shalt  }
0x6e: {  	_ =	shalt  }
0x6f: {  	_ =	shalt  }
0x70: {  	_ =	shalt  }
0x71: {  	_ =	shalt  }
0x72: {  	_ =	shalt  }
0x73: {  	_ =	shalt  }
0x74: {  	_ =	shalt  }
0x75: {  	_ =	shalt  }
0x76: {  	_ =	shalt  }
0x77: {  	_ =	shalt  }
0x78: {  	_ =	shalt  }
0x79: {  	_ =	shalt  }
0x7a: {  	_ =	shalt  }
0x7b: {  	_ =	shalt  }
0x7c: {  	_ =	shalt  }
0x7d: {  	_ =	shalt  }
0x7e: {  	_ =	shalt  }
0x7f: {  	_ =	shalt  }
0x80: {  	_ =	shalt  }
0x81: {  	_ =	shalt  }
0x82: {  	_ =	shalt  }
0x83: {  	_ =	shalt  }
0x84: {  	_ =	shalt  }
0x85: {  	_ =	shalt  }
0x86: {  	_ =	shalt  }
0x87: {  	_ =	shalt  }
.Lfunc_end0:
.L_simem_size_0:
called_computation_lowered:
.L_overlay_start_0:
0x88: {  	s2 =	sld [smem:$0x3FD9]  }
0x89: {  	s3 =	sld [smem:$0x3FFE];
	_ =	sdelay $0x1  }
0x8a: {  	s1 =	srdreg.scid  }
0x8b: {  	s0 =	sand.u32 $0x1, s1  }
0x8c: {  	s17 =	sshll.u32 s0, $0xA;
	s2 =	sadd.s32 s3, s2  }
0x8d: {  	s2 =	sadd.s32 s2, s17  }
0x8e: {  	[smem:$0x3FBD] =	sst s2  }
0x8f: {  	_ = 	snop  }
0x90: {  	s18 =	sld [smem:$0x3FD0];
	(tm) =	ssettm $0x1  }
0x91: {  	s19 =	sld [smem:$0x3FFB];
	_ =	sdelay $0x3  }
0x92: {  	_ =	strace s19  }
0x93: {  	s2 =	sld [smem:$0x3FFC];
	_ =	sdelay $0x3  }
0x94: {  	_ =	strace s2  }
0x95: {  	s2 =	sld [smem:$0x3FFD];
	_ =	sdelay $0x3  }
0x96: {  	_ =	strace s2  }
0x97: {  	_ =	strace $0x8FFFFFFF  }
0x98: {  	s20 =	sld [smem:$0x3FDB];
	_ =	sdelay $0x1  }
0x99: {  	s4 =	simm.s32 $_scs_section_size  }
0x9a: {  	s5 =	simm.s32 $_size__tile_overlayer_lowered;
	s6 =	simm.s32 $_tile_overlayer_lowered  }
0x9b: {  	s7 =	simm.s32 $0x1BFF;
	s21 =	sshll.u32 s6, $0x1;
	s4 =	sadd.s32 s4, s20  }
0x9c: {  	s22 =	simm.s32 $0x0;
	s5 =	sshll.u32 s5, $0x1;
	s6 =	sadd.s32 s21, s4  }
0x9d: {  	[timem:s22], [sflag:s7] =	dma.local [hbm:s6], s5  }
0x9e: {  	_ =	swait.ge [sflag:s7], s5  }
0x9f: {  	s5 =	ssub.s32 $0x0, s5;
	[sflag:s7] =	ssyncset.done $0x0  }
0xa0: {  	[sflag:s7] =	ssyncadd.s32 s5;
	_ =	sdelay $0x1  }
0xa1: {  	s23 =	simm.s32 $0x1B8B  }
0xa2: {  	_ =	swait.ge [sflag:s23], $0x1  }
0xa3: {  	[sflag:s23] =	ssyncset.done $0x0  }
0xa4: {  	[sflag:s23] =	ssyncadd.s32 $0xFFFFFFFF  }
0xa5: {  	s5 =	sld [smem:$0x0]  }
0xa6: {  	s6 =	sand.u32 $0xFFFFFFFE, s1  }
0xa7: {  	p0 =	sne.s32 s1, s6  }
0xa8: {  	s6 =	sshll.u32 @p0 s6, $0xE  }
0xa9: {  	s6 =	sadd.s32 @p0 $0x11B8D, s6;
	s7 =	sshll.u32 @p0 s5, $0x11  }
0xaa: {  	s6 =	sor.u32 @p0 s7, s6  }
0xab: {  	[sflag:s6] =	ssyncadd.remote.s32 @p0 $0x1;
	_ =	sdelay $0x1  }
0xac: {  	s6 =	simm.s32 @p0 $0x1B8D  }
0xad: {  	_ =	swait.eq @p0 [sflag:s6], $0x1  }
0xae: {  	[sflag:s6] =	ssyncadd.s32 @p0 $0xFFFFFFFF  }
0xaf: {  	s7 =	sshll.u32 @!p0 s1, $0xE  }
0xb0: {  	s7 =	sor.u32 @!p0 $0x4000, s7;
	s6 =	simm.s32 @!p0 $0x1B8D  }
0xb1: {  	s5 =	sshll.u32 @!p0 s5, $0x11;
	s7 =	sadd.s32 @!p0 $0x11B8D, s7;
	_ =	swait.eq @!p0 [sflag:s6], $0x1  }
0xb2: {  	s5 =	sor.u32 @!p0 s5, s7;
	[sflag:s6] =	ssyncadd.s32 @!p0 $0xFFFFFFFF  }
0xb3: {  	s25 =	simm.s32 $0x1B8E;
	s24 =	sld [smem:$0x3FFE];
	[sflag:s5] =	ssyncadd.remote.s32 @!p0 $0x1  }
0xb4: {  	s26 =	simm.s32 $execute0_lowered;
	[smem:$0x3FD2] =	sst s25  }
0xb5: {  	s6 =	sshll.u32 s26, $0x1;
	_ =	strace $0x80000049;
	[dreg:$0x1] =	wrdreg $0xFFFFFFFF  }
0xb6: {  	s28 =	simm.s32 $_size_execute0_lowered;
	s4 =	sadd.s32 s4, s6;
	[dreg:$0x0] =	wrdreg $0x0  }
0xb7: {  	s6 =	sshll.u32 s28, $0x1;
	[dreg:$0x2] =	wrdreg s4  }
0xb8: {  	[dreg:$0x3] =	wrdreg s6  }
0xb9: {  	[dreg:$0x4] =	wrdreg $0xC0  }
0xba: {  	_ =	task [dreg:s22], $0x5FFFF  }
0xbb: {  	[dreg:$0x1] =	wrdreg $0xFFFFFFFF  }
0xbc: {  	[dreg:$0x0] =	wrdreg $0x60  }
0xbd: {  	[dreg:$0x2] =	wrdreg s18  }
0xbe: {  	[dreg:$0x3] =	wrdreg s24  }
0xbf: {  	[dreg:$0x4] =	wrdreg $0x0  }
0xc0: {  	[dreg:$0x5] =	wrdreg $0x9  }
0xc1: {  	_ =	task.clear_ibuf [dreg:s22], $0x6FFFF;
	_ =	strace $0x90000049  }
0xc2: {  	s29 =	simm.s32 $0x9;
	_ =	strace $0x8000004B  }
0xc3: {  	_ =	swait.ge [sflag:s29], $0x1  }
0xc4: {  	[sflag:s29] =	ssyncadd.s32 $0xFFFFFFFF  }
0xc5: {  	_ =	strace $0x9000004B  }
0xc6: {  	_ =	sfence  }
0xc7: {  	s30 =	sld [smem:$0x0];
	_ =	sdelay $0x2  }
0xc8: {  	s31 =	sshll.u32 s1, $0xD;
	s1 =	sshrl.u32 s1, $0x2  }
0xc9: {  	s4 =	sand.u32 $0x4000, s31;
	s1 =	sadd.s32 s1, s30  }
0xca: {  	s0 =	sor.u32 s4, s0;
	s1 =	sshll.u32 s1, $0x11  }
0xcb: {  	s0 =	sor.u32 s1, s0  }
0xcc: {  	s0 =	sadd.s32 $0x8F2B, s0  }
0xcd: {  	[sflag:s0] =	ssyncadd.remote.s32 $0x1  }
0xce: {  	_ =	sfence.sel $0xFFFF  }
0xcf: {  	[dreg:$0x0] =	wrdreg $0xFFFFFFFF;
	(pc) =	sbr.abs _section_cstart, $3  }
0xd0: {  	[dreg:$0x1] =	wrdreg $0xFFFFFFFF  }
0xd1: {  	_ =	task.clear_ibuf [dreg:s22], $0x2FFFF;
	_ =	strace $0x9FFFFFFF  }
0xd2: {  	(tm) =	ssettm $0x7FFFFFFF  }
0xd3: {  	_ =	shalt  }
tec
execute0_lowered:
.L_overlay_start_1:
0x0: {  	(tag) =	ssettag $0x1  }
0x1: {  	s6 =	rddreg [dreg:$0x0]  }
0x2: {  	s7 =	rddreg [dreg:$0x1]  }
0x3: {  	s1 =	rddreg [dreg:$0x2]  }
0x4: {  	s0 =	rddreg [dreg:$0x3];
	s3 =	simm.s32 $0x0;
	s2 =	srdreg.scid  }
0x5: {  	s13 =	simm.s32 $0x16800;
	s14 =	simm.s32 $0x80;
	s15 =	simm.s32 $0x1  }
0x6: {  	s16 =	simm.s32 $0x2;
	s17 =	simm.s32 $0x3;
	s18 =	simm.s32 $0x4  }
0x7: {  	s19 =	simm.s32 $0x5;
	[smem:$0x7FF] =	sst s3;
	s8 =	sand.u32 $0x1, s2  }
0x8: {  	s20 =	simm.s32 $0x0;
	s2 =	stileid.u32;
	s9 =	smul.u32 $0x140000, s8  }
0x9: {  	s4 =	sadd.s32 $0xAF400, s7;
	s5 =	sadd.s32 $0x5CC00, s7;
	s10 =	smul.u32 $0x14000, s2  }
0xa: {  	_ =	strace $0x8000004A;
	s11 =	sshll.u32 s2, $0x1;
	s29 =	smul.u32 $0x50000, s2  }
0xb: {  	s31 =	sshll.u32 s2, $0x6;
	s28 =	sor.u32 s8, s11;
	s8 =	ssub.s32 $0x2, s8  }
0xc: {  	s9 =	sadd.s32 s10, s9;
	s10 =	smul.u32 $0x500, s28;
	s30 =	sshrl.u32 s8, $0x1  }
0xd: {  	s11 =	sshrl.u32 s29, $0x2;
	s9 =	sshrl.u32 s9, $0x3;
	s8 =	ssub.s32 s8, s30  }
0xe: {  	s12 =	sadd.s32 s11, s1;
	s11 =	sor.u32 $0x1C06, s31;
	s7 =	sadd.s32 s9, s7  }
0xf: {  	s6 =	sadd.s32 s6, s10;
	s8 =	smax.u32 s8, $0x1;
	s9 =	simm.s32 $0x14000  }
0x10: {  	s10 =	simm.s32 $0x6;
	s12 =	sshrl.u32 s12, $0x3;
	s7 =	sadd.s32 $0xAFC00, s7  }
.LBB2_1:
0x11: {  	[tilespmem:s9], [sflag:$0x6] =	stream.linear.gather [hbm4b:s6+s3], $0x2800, $0x38;
	[tilespmem:$0x1A800] =	vst v63  }
0x12: {  	_ =	swait.ge [sflag:s10], $0x2800  }
0x13: {  	[sflag:s10] =	ssyncset.done $0x0  }
0x14: {  	[sflag:s10] =	ssyncadd.s32 $0xFFFFD800  }
0x15: {  	[spmem:s12], [sflag:s11] =	dma.local [hbm:s5], $0x2800  }
0x16: {  	_ =	swait.ge [sflag:s10], $0x2800  }
0x17: {  	[sflag:s10] =	ssyncset.done $0x0  }
0x18: {  	[sflag:s10] =	ssyncadd.s32 $0xFFFFD800  }
0x19: {  	[tilespmem:s13], [sflag:$0x6] =	stream.linear.gather [hbm4b:s4+s3], $0x4000, $0x38;
	[tilespmem:$0x1A800] =	vst v63  }
0x1a: {  	_ =	swait.ge [sflag:s10], $0x4000  }
0x1b: {  	[sflag:s10] =	ssyncset.done $0x0  }
0x1c: {  	[sflag:s10] =	ssyncadd.s32 $0xFFFFC000  }
0x1d: {  	s21 =	simm.s32 $0x14000;
	[bflag:$0x0] =	sbarrier.arrive $0xFFFF  }
0x1e: {  	[spmem:s1] =	stream.indirect.scatter.add.f32 [tilespmem:s13], [sflag:$0x1], $0x80, s21, s14, $0xb8;
	[tilespmem:$0x1A800] =	vst v63  }
0x1f: {  	s28 =	simm.s32 $0x14080  }
0x20: {  	[spmem:s1] =	stream.indirect.scatter.add.f32 [tilespmem:s13], [sflag:$0x2], $0x80, s28, s14, $0xb8;
	[tilespmem:$0x1A800] =	vst v63  }
0x21: {  	s29 =	simm.s32 $0x14100  }
0x22: {  	[spmem:s1] =	stream.indirect.scatter.add.f32 [tilespmem:s13], [sflag:$0x3], $0x80, s29, s14, $0xb8;
	[tilespmem:$0x1A800] =	vst v63  }
0x23: {  	s30 =	simm.s32 $0x14180  }
0x24: {  	[spmem:s1] =	stream.indirect.scatter.add.f32 [tilespmem:s13], [sflag:$0x4], $0x80, s30, s14, $0xb8;
	[tilespmem:$0x1A800] =	vst v63  }
0x25: {  	s31 =	simm.s32 $0x14200  }
0x26: {  	[spmem:s1] =	stream.indirect.scatter.add.f32 [tilespmem:s13], [sflag:$0x5], $0x80, s31, s14, $0xb8;
	[tilespmem:$0x1A800] =	vst v63  }
0x27: {  	_ =	swait.ge [sflag:s15], $0x4000  }
0x28: {  	[sflag:s15] =	ssyncset.done $0x0  }
0x29: {  	[sflag:s15] =	ssyncadd.s32 $0xFFFFC000  }
0x2a: {  	_ =	swait.ge [sflag:s16], $0x4000  }
0x2b: {  	[sflag:s16] =	ssyncset.done $0x0  }
0x2c: {  	[sflag:s16] =	ssyncadd.s32 $0xFFFFC000  }
0x2d: {  	_ =	swait.ge [sflag:s17], $0x4000  }
0x2e: {  	[sflag:s17] =	ssyncset.done $0x0  }
0x2f: {  	[sflag:s17] =	ssyncadd.s32 $0xFFFFC000  }
0x30: {  	_ =	swait.ge [sflag:s18], $0x4000  }
0x31: {  	[sflag:s18] =	ssyncset.done $0x0  }
0x32: {  	[sflag:s18] =	ssyncadd.s32 $0xFFFFC000  }
0x33: {  	_ =	swait.ge [sflag:s19], $0x4000  }
0x34: {  	s22 =	simm.s32 $0x1400;
	s21 =	simm.s32 $0x280;
	[sflag:s19] =	ssyncset.done $0x0  }
.LBB2_2:
0x35: {  	s23 =	sadd.s32 $0x14000, s21  }
0x36: {  	[sflag:s19] =	ssyncadd.s32 $0xFFFFC000;
	s24 =	smov.u32 s22;
	s25 =	sadd.s32 $0xA00, s22  }
0x37: {  	[spmem:s1] =	stream.indirect.scatter.add.f32 [tilespmem:s13], [sflag:$0x1], $0x80, s23, s14, $0xb8;
	[tilespmem:$0x1A800] =	vst v63  }
0x38: {  	p0 =	sne.s32 s22, $0x9600;
	s22 =	sadd.s32 $0x14080, s21  }
0x39: {  	[spmem:s1] =	stream.indirect.scatter.add.f32 [tilespmem:s13], [sflag:$0x2], $0x80, s22, s14, $0xb8;
	[tilespmem:$0x1A800] =	vst v63  }
0x3a: {  	s22 =	sadd.s32 $0x14100, s21  }
0x3b: {  	[spmem:s1] =	stream.indirect.scatter.add.f32 [tilespmem:s13], [sflag:$0x3], $0x80, s22, s14, $0xb8;
	[tilespmem:$0x1A800] =	vst v63  }
0x3c: {  	s22 =	sadd.s32 $0x14180, s21  }
0x3d: {  	[spmem:s1] =	stream.indirect.scatter.add.f32 [tilespmem:s13], [sflag:$0x4], $0x80, s22, s14, $0xb8;
	[tilespmem:$0x1A800] =	vst v63  }
0x3e: {  	s21 =	sadd.s32 $0x14200, s21  }
0x3f: {  	[spmem:s1] =	stream.indirect.scatter.add.f32 [tilespmem:s13], [sflag:$0x5], $0x80, s21, s14, $0xb8;
	[tilespmem:$0x1A800] =	vst v63  }
0x40: {  	_ =	swait.ge [sflag:s15], $0x4000  }
0x41: {  	[sflag:s15] =	ssyncset.done $0x0  }
0x42: {  	[sflag:s15] =	ssyncadd.s32 $0xFFFFC000  }
0x43: {  	_ =	swait.ge [sflag:s16], $0x4000  }
0x44: {  	[sflag:s16] =	ssyncset.done $0x0  }
0x45: {  	[sflag:s16] =	ssyncadd.s32 $0xFFFFC000  }
0x46: {  	_ =	swait.ge [sflag:s17], $0x4000  }
0x47: {  	[sflag:s17] =	ssyncset.done $0x0  }
0x48: {  	[sflag:s17] =	ssyncadd.s32 $0xFFFFC000  }
.Ltmp0:
0x49: {  	_ =	swait.ge [sflag:s18], $0x4000;
	(pc) =	sbr.rel @p0 .LBB2_2-.Ltmp0, $4  }
0x4a: {  	[sflag:s18] =	ssyncset.done $0x0  }
0x4b: {  	[sflag:s18] =	ssyncadd.s32 $0xFFFFC000  }
0x4c: {  	_ =	swait.ge [sflag:s19], $0x4000  }
0x4d: {  	s22 =	smov.u32 s25;
	s21 =	sshra.s32 s24, $0x2;
	[sflag:s19] =	ssyncset.done $0x0  }
0x4e: {  	s22 =	sadd.s32 $0x14000, s21;
	[sflag:s19] =	ssyncadd.s32 $0xFFFFC000  }
0x4f: {  	[spmem:s1] =	stream.indirect.scatter.add.f32 [tilespmem:s13], [sflag:$0x1], $0x80, s22, s14, $0xb8;
	[tilespmem:$0x1A800] =	vst v63  }
0x50: {  	s28 =	sadd.s32 $0x14080, s21  }
0x51: {  	[spmem:s1] =	stream.indirect.scatter.add.f32 [tilespmem:s13], [sflag:$0x2], $0x80, s28, s14, $0xb8;
	[tilespmem:$0x1A800] =	vst v63  }
0x52: {  	s29 =	sadd.s32 $0x14100, s21  }
0x53: {  	[spmem:s1] =	stream.indirect.scatter.add.f32 [tilespmem:s13], [sflag:$0x3], $0x80, s29, s14, $0xb8;
	[tilespmem:$0x1A800] =	vst v63  }
0x54: {  	s30 =	sadd.s32 $0x14180, s21  }
0x55: {  	[spmem:s1] =	stream.indirect.scatter.add.f32 [tilespmem:s13], [sflag:$0x4], $0x80, s30, s14, $0xb8;
	[tilespmem:$0x1A800] =	vst v63  }
0x56: {  	s31 =	sadd.s32 $0x14200, s21  }
0x57: {  	[spmem:s1] =	stream.indirect.scatter.add.f32 [tilespmem:s13], [sflag:$0x5], $0x80, s31, s14, $0xb8;
	[tilespmem:$0x1A800] =	vst v63  }
0x58: {  	_ =	swait.ge [sflag:s15], $0x4000  }
0x59: {  	[sflag:s15] =	ssyncset.done $0x0  }
0x5a: {  	[sflag:s15] =	ssyncadd.s32 $0xFFFFC000  }
0x5b: {  	_ =	swait.ge [sflag:s16], $0x4000  }
0x5c: {  	[sflag:s16] =	ssyncset.done $0x0  }
0x5d: {  	[sflag:s16] =	ssyncadd.s32 $0xFFFFC000  }
0x5e: {  	_ =	swait.ge [sflag:s17], $0x4000  }
0x5f: {  	[sflag:s17] =	ssyncset.done $0x0  }
0x60: {  	[sflag:s17] =	ssyncadd.s32 $0xFFFFC000  }
0x61: {  	_ =	swait.ge [sflag:s18], $0x4000  }
0x62: {  	[sflag:s18] =	ssyncset.done $0x0  }
0x63: {  	[sflag:s18] =	ssyncadd.s32 $0xFFFFC000  }
0x64: {  	_ =	swait.ge [sflag:s19], $0x4000  }
0x65: {  	s20 =	sadd.s32 $0x1, s20;
	[sflag:s19] =	ssyncset.done $0x0  }
0x66: {  	p0 =	sne.s32 s20, s8;
	[sflag:s19] =	ssyncadd.s32 $0xFFFFC000  }
.Ltmp1:
0x67: {  	[bflag:$0x0] =	sbarrier.arrive $0xFFFF;
	(pc) =	sbr.rel @p0 .LBB2_1-.Ltmp1, $4  }
0x68: {  	[hbm:s7], [sflag:s11] =	dma.local [spmem:s12], $0x2800  }
0x69: {  	_ =	swait.ge [sflag:s10], $0x2800  }
0x6a: {  	[sflag:s10] =	ssyncset.done $0x0  }
0x6b: {  	[sflag:s10] =	ssyncadd.s32 $0xFFFFD800  }
0x6c: {  	_ =	sfence.sel $0x180000  }
0x6d: {  	[bflag:$0x0] =	sbarrier.arrive $0xFFFF  }
0x6e: {  	p0 =	sne.s32 s2, $0x0;
	_ =	strace $0x9000004A  }
0x6f: {  	s0 =	sadd.s32 @!p0 $0x100000, s0;
	[bflag:$0x2] =	sbarrier.arrive $0xFFFF  }
0x70: {  	[sflag:s0] =	ssyncadd.tile.s32 @!p0 $0x1;
	_ =	shalt  }
.Lfunc_end2:
_tile_overlayer_lowered:
.L_overlay_start_2:
0x71: {  	(tag) =	ssettag $0x2  }
0x72: {  	s0 =	rddreg [dreg:$0x0];
	s2 =	stileid.u32  }
0x73: {  	s1 =	rddreg [dreg:$0x1];
	p0 =	sne.s32 s2, $0x0  }
0x74: {  	s3 =	rddreg [dreg:$0x2];
	[bflag:$0x3] =	sbarrier.arrive $0xFFFF;
	s2 =	simm.s32 @!p0 $0x1C06  }
0x75: {  	[timem:s3], [sflag:s2] =	dma.local @!p0 [hbm:s0], s1  }
0x76: {  	s0 =	simm.s32 @!p0 $0x6  }
0x77: {  	_ =	swait.ge @!p0 [sflag:s0], s1  }
0x78: {  	s1 =	ssub.s32 @!p0 $0x0, s1;
	[sflag:s0] =	ssyncset.done @!p0 $0x0  }
0x79: {  	[sflag:s0] =	ssyncadd.s32 @!p0 s1  }
0x7a: {  	[bflag:$0x3] =	sbarrier.arrive $0xFFFF  }
0x7b: {  	_ =	shalt  }

// kernel: kernel.13.cloned.1.call-start
scs
__scs_entry_jumppad:
0x0: {  	(pc) =	sbr.rel $0x88, $3  }
0x1: {  	(tag) =	ssettag $0x0;
	lr =	simm.s32 $0x1  }
0x2: {  	[smem:$0x3F96] =	sst lr;
	_ =	strace $0xD0000000  }
0x3: {  	_ = 	snop  }
0x4: {  	_ = 	snop  }
0x5: {  	_ = 	snop  }
0x6: {  	_ = 	snop  }
0x7: {  	_ = 	snop  }
__scs_overlays_trampoline_lowered:
0x8: {  	[smem:$0x3FA5] =	sst s0  }
0x9: {  	[smem:$0x3FA6] =	sst s1  }
0xa: {  	[smem:$0x3FA7] =	sst s2  }
0xb: {  	[smem:$0x3FA8] =	sst s3  }
0xc: {  	[smem:$0x3FA9] =	sst s4  }
0xd: {  	[smem:$0x3FAA] =	sst s5  }
0xe: {  	[smem:$0x3FAB] =	sst s6  }
0xf: {  	[smem:$0x3FAC] =	sst s7  }
0x10: {  	[smem:$0x3FAD] =	sst s8  }
0x11: {  	[smem:$0x3FAE] =	sst s9;
	s0 =	simm.s32 @!p0 $0x0  }
0x12: {  	s1 =	sld [smem:$0x3F94];
	s0 =	simm.s32 @p0 $0x1  }
0x13: {  	[smem:$0x3FAF] =	sst s0;
	s0 =	simm.s32 @!p1 $0x0  }
0x14: {  	s2 =	sld [smem:$0x3F93];
	s0 =	simm.s32 @p1 $0x1  }
0x15: {  	[smem:$0x3FB0] =	sst s0;
	s0 =	simm.s32 @!p2 $0x0  }
0x16: {  	s3 =	sld [smem:$0x3FDB];
	s0 =	simm.s32 @p2 $0x1  }
0x17: {  	s4 =	simm.s32 $0x1BF5;
	[smem:$0x3FB2] =	sst s0  }
0x18: {  	s0 =	sld [smem:$0x3F95];
	_ =	swait.ge [sflag:s4], $0x0  }
0x19: {  	s7 =	sld [smem:$0x3F96]  }
0x1a: {  	s8 =	sadd.s32 $0xFFFFE003, lr  }
0x1b: {  	s9 =	sadd.s32 $0xFFFFFEF7, lr;
	s5 =	simm.s32 $0xFFFFFFFF;
	p2 =	slt.u32 s8, $0xFFFFF086  }
0x1c: {  	p1 =	slt.u32 s9, $0xF7A;
	s5 =	simm.s32 @!p2 $0x0  }
0x1d: {  	s5 =	simm.s32 @p1 $0x1;
	p0 =	seq.s32 s7, s2  }
0x1e: {  	s7 =	smul.u32 @!p0 $0xF7A, s2;
	p2 =	seq.s32 @!p0 s5, $0x0  }
0x1f: {  	s9 =	smul.u32 $0xF7A, s1;
	s8 =	simm.s32 @!p0 $0x1BF5;
	p2 =	por !p2, p0  }
0x20: {  	[sflag:s8] =	ssyncset.s32 @!p0 $0xFFFFF086;
	s6 =	sadd.s32 @!p0 s3, s7;
	s7 =	simm.s32 @!p0 $0x108  }
0x21: {  	s3 =	sadd.s32 s3, s9;
	s6 =	sadd.s32 @!p0 $0x88, s6;
	s7 =	simm.s32 @p2 $0x1082  }
0x22: {  	[simem:s7], [sflag:s8] =	dma.local @!p0 [hbm:s6], $0xF7A  }
0x23: {  	s9 =	sor.u32 $0xD0000000, s2;
	s6 =	simm.s32 $0x108;
	_ =	swait.ge @!p0 [sflag:s8], $0x0  }
0x24: {  	s3 =	sadd.s32 $0x88, s3;
	s6 =	simm.s32 @!p1 $0x1082;
	[sflag:s4] =	ssyncset.s32 $0xFFFFF086  }
0x25: {  	[simem:s6], [sflag:s4] =	dma.local [hbm:s3], $0xF7A  }
0x26: {  	[smem:$0x3F96] =	sst s1;
	(tag) =	ssettag s2;
	_ =	strace s9  }
0x27: {  	s1 =	sld [smem:$0x3FA6]  }
0x28: {  	s2 =	sld [smem:$0x3FA7]  }
0x29: {  	s4 =	sld [smem:$0x3FA9]  }
0x2a: {  	p0 =	seq.s32 s5, $0x0;
	s5 =	sld [smem:$0x3FAA]  }
0x2b: {  	s6 =	sld [smem:$0x3FAB]  }
0x2c: {  	s7 =	sld [smem:$0x3FAC]  }
0x2d: {  	s3 =	simm.s32 $0x108;
	s8 =	sld [smem:$0x3FAD]  }
0x2e: {  	s3 =	simm.s32 @!p0 $0x1082;
	s9 =	sld [smem:$0x3FAE]  }
0x2f: {  	lr =	sadd.s32 s0, s3;
	s0 =	sld [smem:$0x3FA5]  }
0x30: {  	s3 =	sld [smem:$0x3FA8]  }
0x31: {  	[smem:$0x3FB1] =	sst s10  }
0x32: {  	s10 =	sld [smem:$0x3FAF];
	_ =	sdelay $0x3  }
0x33: {  	p0 =	seq.s32 s10, $0x1;
	s10 =	sld [smem:$0x3FB1];
	_ =	sdelay $0x3  }
0x34: {  	[smem:$0x3FB1] =	sst s10  }
0x35: {  	s10 =	sld [smem:$0x3FB0];
	_ =	sdelay $0x3  }
0x36: {  	p1 =	seq.s32 s10, $0x1;
	s10 =	sld [smem:$0x3FB1];
	_ =	sdelay $0x3  }
0x37: {  	[smem:$0x3FB1] =	sst s10  }
0x38: {  	s10 =	sld [smem:$0x3FB2]  }
0x39: {  	_ = 	snop;
	(pc) =	sbr.ind lr, $3  }
0x3a: {  	_ = 	snop  }
0x3b: {  	_ = 	snop  }
0x3c: {  	p2 =	seq.s32 s10, $0x1;
	s10 =	sld [smem:$0x3FB1]  }
0x3d: {  	_ =	shalt  }
0x3e: {  	_ =	shalt  }
0x3f: {  	_ =	shalt  }
0x40: {  	_ =	shalt  }
0x41: {  	_ =	shalt  }
0x42: {  	_ =	shalt  }
0x43: {  	_ =	shalt  }
0x44: {  	_ =	shalt  }
0x45: {  	_ =	shalt  }
0x46: {  	_ =	shalt  }
0x47: {  	_ =	shalt  }
0x48: {  	_ =	shalt  }
0x49: {  	_ =	shalt  }
0x4a: {  	_ =	shalt  }
0x4b: {  	_ =	shalt  }
0x4c: {  	_ =	shalt  }
0x4d: {  	_ =	shalt  }
0x4e: {  	_ =	shalt  }
0x4f: {  	_ =	shalt  }
0x50: {  	_ =	shalt  }
0x51: {  	_ =	shalt  }
0x52: {  	_ =	shalt  }
0x53: {  	_ =	shalt  }
0x54: {  	_ =	shalt  }
0x55: {  	_ =	shalt  }
0x56: {  	_ =	shalt  }
0x57: {  	_ =	shalt  }
0x58: {  	_ =	shalt  }
0x59: {  	_ =	shalt  }
0x5a: {  	_ =	shalt  }
0x5b: {  	_ =	shalt  }
0x5c: {  	_ =	shalt  }
0x5d: {  	_ =	shalt  }
0x5e: {  	_ =	shalt  }
0x5f: {  	_ =	shalt  }
0x60: {  	_ =	shalt  }
0x61: {  	_ =	shalt  }
0x62: {  	_ =	shalt  }
0x63: {  	_ =	shalt  }
0x64: {  	_ =	shalt  }
0x65: {  	_ =	shalt  }
0x66: {  	_ =	shalt  }
0x67: {  	_ =	shalt  }
0x68: {  	_ =	shalt  }
0x69: {  	_ =	shalt  }
0x6a: {  	_ =	shalt  }
0x6b: {  	_ =	shalt  }
0x6c: {  	_ =	shalt  }
0x6d: {  	_ =	shalt  }
0x6e: {  	_ =	shalt  }
0x6f: {  	_ =	shalt  }
0x70: {  	_ =	shalt  }
0x71: {  	_ =	shalt  }
0x72: {  	_ =	shalt  }
0x73: {  	_ =	shalt  }
0x74: {  	_ =	shalt  }
0x75: {  	_ =	shalt  }
0x76: {  	_ =	shalt  }
0x77: {  	_ =	shalt  }
0x78: {  	_ =	shalt  }
0x79: {  	_ =	shalt  }
0x7a: {  	_ =	shalt  }
0x7b: {  	_ =	shalt  }
0x7c: {  	_ =	shalt  }
0x7d: {  	_ =	shalt  }
0x7e: {  	_ =	shalt  }
0x7f: {  	_ =	shalt  }
0x80: {  	_ =	shalt  }
0x81: {  	_ =	shalt  }
0x82: {  	_ =	shalt  }
0x83: {  	_ =	shalt  }
0x84: {  	_ =	shalt  }
0x85: {  	_ =	shalt  }
0x86: {  	_ =	shalt  }
0x87: {  	_ =	shalt  }
.Lfunc_end0:
.L_simem_size_0:
called_computation.1_lowered:
.L_overlay_start_0:
0x88: {  	s2 =	sld [smem:$0x3FD9]  }
0x89: {  	s3 =	sld [smem:$0x3FFE];
	_ =	sdelay $0x1  }
0x8a: {  	s1 =	srdreg.scid  }
0x8b: {  	s0 =	sand.u32 $0x1, s1  }
0x8c: {  	s17 =	sshll.u32 s0, $0xA;
	s2 =	sadd.s32 s3, s2  }
0x8d: {  	s2 =	sadd.s32 s2, s17  }
0x8e: {  	[smem:$0x3FBD] =	sst s2  }
0x8f: {  	_ = 	snop  }
0x90: {  	s2 =	sld [smem:$0x3FD0];
	(tm) =	ssettm $0x1  }
0x91: {  	s18 =	sld [smem:$0x3FFB];
	_ =	sdelay $0x3  }
0x92: {  	_ =	strace s18  }
0x93: {  	s3 =	sld [smem:$0x3FFC];
	_ =	sdelay $0x3  }
0x94: {  	_ =	strace s3  }
0x95: {  	s3 =	sld [smem:$0x3FFD];
	_ =	sdelay $0x3  }
0x96: {  	_ =	strace s3  }
0x97: {  	_ =	strace $0x8FFFFFFF  }
0x98: {  	s19 =	sld [smem:$0x3FDB];
	_ =	sdelay $0x1  }
0x99: {  	s4 =	simm.s32 $_scs_section_size  }
0x9a: {  	s5 =	simm.s32 $_size__tile_overlayer_lowered;
	s6 =	simm.s32 $_tile_overlayer_lowered  }
0x9b: {  	s22 =	simm.s32 $0x1BFF;
	s21 =	sshll.u32 s6, $0x1;
	s3 =	sadd.s32 s4, s19  }
0x9c: {  	s7 =	simm.s32 $0x0;
	s20 =	sshll.u32 s5, $0x1;
	s5 =	sadd.s32 s21, s3  }
0x9d: {  	[timem:s7], [sflag:s22] =	dma.local [hbm:s5], s20  }
0x9e: {  	_ =	swait.ge [sflag:s22], s20  }
0x9f: {  	s4 =	ssub.s32 $0x0, s20;
	[sflag:s22] =	ssyncset.done $0x0  }
0xa0: {  	[sflag:s22] =	ssyncadd.s32 s4;
	_ =	sdelay $0x1  }
0xa1: {  	s23 =	simm.s32 $0x1B8B  }
0xa2: {  	_ =	swait.ge [sflag:s23], $0x1  }
0xa3: {  	[sflag:s23] =	ssyncset.done $0x0  }
0xa4: {  	s25 =	simm.s32 $0x1B8E;
	s24 =	sld [smem:$0x3FFE];
	[sflag:s23] =	ssyncadd.s32 $0xFFFFFFFF  }
0xa5: {  	s26 =	simm.s32 $execute0_lowered;
	[smem:$0x3FD2] =	sst s25  }
0xa6: {  	s5 =	sshll.u32 s26, $0x1;
	_ =	strace $0x80000046;
	[dreg:$0x1] =	wrdreg $0xFFFFFFFF  }
0xa7: {  	s28 =	simm.s32 $_size_execute0_lowered;
	s3 =	sadd.s32 s3, s5;
	[dreg:$0x0] =	wrdreg $0x0  }
0xa8: {  	s5 =	sshll.u32 s28, $0x1;
	[dreg:$0x2] =	wrdreg s3  }
0xa9: {  	[dreg:$0x3] =	wrdreg s5  }
0xaa: {  	[dreg:$0x4] =	wrdreg $0xC0  }
0xab: {  	_ =	task [dreg:s7], $0x5FFFF  }
0xac: {  	[dreg:$0x1] =	wrdreg $0xFFFFFFFF  }
0xad: {  	[dreg:$0x0] =	wrdreg $0x60  }
0xae: {  	[dreg:$0x2] =	wrdreg s24  }
0xaf: {  	[dreg:$0x3] =	wrdreg s2  }
0xb0: {  	[dreg:$0x4] =	wrdreg $0x0  }
0xb1: {  	[dreg:$0x5] =	wrdreg $0xA  }
0xb2: {  	_ =	task.clear_ibuf [dreg:s7], $0x6FFFF;
	_ =	strace $0x90000046  }
0xb3: {  	s29 =	simm.s32 $0xA;
	_ =	strace $0x80000048  }
0xb4: {  	_ =	swait.ge [sflag:s29], $0x1  }
0xb5: {  	[sflag:s29] =	ssyncadd.s32 $0xFFFFFFFF  }
0xb6: {  	_ =	strace $0x90000048  }
0xb7: {  	_ =	sfence  }
0xb8: {  	s30 =	sld [smem:$0x0];
	_ =	sdelay $0x2  }
0xb9: {  	s31 =	sshll.u32 s1, $0xD;
	s1 =	sshrl.u32 s1, $0x2  }
0xba: {  	s3 =	sand.u32 $0x4000, s31;
	s1 =	sadd.s32 s1, s30  }
0xbb: {  	s0 =	sor.u32 s3, s0;
	s1 =	sshll.u32 s1, $0x11  }
0xbc: {  	s0 =	sor.u32 s1, s0  }
0xbd: {  	s0 =	sadd.s32 $0x8F2B, s0  }
0xbe: {  	[sflag:s0] =	ssyncadd.remote.s32 $0x1  }
0xbf: {  	_ =	sfence.sel $0xFFFF  }
0xc0: {  	[dreg:$0x0] =	wrdreg $0xFFFFFFFF;
	(pc) =	sbr.abs _section_cstart, $3  }
0xc1: {  	[dreg:$0x1] =	wrdreg $0xFFFFFFFF  }
0xc2: {  	_ =	task.clear_ibuf [dreg:s7], $0x2FFFF;
	_ =	strace $0x9FFFFFFF  }
0xc3: {  	(tm) =	ssettm $0x7FFFFFFF  }
tec
execute0_lowered:
.L_overlay_start_1:
0x0: {  	(tag) =	ssettag $0x1  }
0x1: {  	s5 =	rddreg [dreg:$0x0]  }
0x2: {  	s1 =	srdreg.scid;
	s6 =	rddreg [dreg:$0x1]  }
0x3: {  	s0 =	stileid.u32;
	s2 =	rddreg [dreg:$0x2]  }
0x4: {  	s3 =	simm.s32 $0x0;
	s15 =	simm.s32 $0x80;
	s16 =	simm.s32 $0x19000  }
0x5: {  	s17 =	simm.s32 $0x1;
	s18 =	simm.s32 $0x2;
	s10 =	smul.u32 $0x14000, s0  }
0x6: {  	s19 =	simm.s32 $0x0;
	s4 =	sand.u32 $0x1, s1;
	s13 =	smul.u32 $0x50000, s0  }
0x7: {  	s28 =	sshll.u32 s0, $0x1;
	[smem:$0x7FF] =	sst s3;
	s7 =	smul.u32 $0x28000, s4  }
0x8: {  	s31 =	sshll.u32 s0, $0x6;
	s1 =	sor.u32 s4, s28;
	s9 =	smul.u32 $0x140000, s4  }
0x9: {  	s29 =	ssub.s32 $0x2, s4;
	s4 =	sadd.s32 $0x5CC00, s5;
	s8 =	smul.u32 $0x500, s1  }
0xa: {  	s1 =	rddreg [dreg:$0x3];
	_ =	strace $0x80000047;
	s12 =	sshrl.u32 s29, $0x1  }
0xb: {  	s30 =	sshrl.u32 s13, $0x2;
	s13 =	sor.u32 $0x1C03, s31;
	s7 =	sadd.s32 s7, s5  }
0xc: {  	s9 =	sadd.s32 s10, s9;
	s10 =	ssub.s32 s29, s12;
	s14 =	sadd.s32 s30, s2  }
0xd: {  	s12 =	simm.s32 $0x16800;
	s11 =	sadd.s32 s8, s5;
	s9 =	sshrl.u32 s9, $0x3  }
0xe: {  	s6 =	sadd.s32 s6, s8;
	s7 =	sadd.s32 $0xCC00, s7;
	s14 =	sshrl.u32 s14, $0x3  }
0xf: {  	s9 =	sadd.s32 s9, s5;
	s5 =	sadd.s32 $0x2C00, s11;
	s11 =	simm.s32 $0x3  }
0x10: {  	s8 =	sadd.s32 $0x5F400, s9;
	s9 =	smax.u32 s10, $0x1;
	s10 =	simm.s32 $0x14000  }
.LBB2_1:
0x11: {  	[tilespmem:s10], [sflag:$0x3] =	stream.linear.gather [hbm4b:s5+s3], $0x2800, $0x38;
	[tilespmem:$0x1D000] =	vst v63  }
0x12: {  	_ =	swait.ge [sflag:s11], $0x2800  }
0x13: {  	[sflag:s11] =	ssyncset.done $0x0  }
0x14: {  	[sflag:s11] =	ssyncadd.s32 $0xFFFFD800  }
0x15: {  	[tilespmem:s12], [sflag:$0x3] =	stream.linear.gather [hbm4b:s6+s3], $0x2800, $0x38;
	[tilespmem:$0x1D000] =	vst v63  }
0x16: {  	_ =	swait.ge [sflag:s11], $0x2800  }
0x17: {  	[sflag:s11] =	ssyncset.done $0x0  }
0x18: {  	[sflag:s11] =	ssyncadd.s32 $0xFFFFD800  }
0x19: {  	[spmem:s14], [sflag:s13] =	dma.local [hbm:s4], $0x2800  }
0x1a: {  	_ =	swait.ge [sflag:s11], $0x2800  }
0x1b: {  	[sflag:s11] =	ssyncset.done $0x0  }
0x1c: {  	[sflag:s11] =	ssyncadd.s32 $0xFFFFD800  }
0x1d: {  	s20 =	simm.s32 $0x14000;
	[bflag:$0x0] =	sbarrier.arrive $0xFFFF  }
0x1e: {  	[tilespmem:s16], [sflag:$0x1] =	stream.indirect.gather [hbm4b:s7+s15], $0x80, s20, s15, $0xb8;
	[tilespmem:$0x1D000] =	vst v63  }
0x1f: {  	_ =	swait.ge [sflag:s17], $0x4000  }
0x20: {  	[sflag:s17] =	ssyncset.done $0x0  }
0x21: {  	s31 =	simm.s32 $0x16800;
	[sflag:s17] =	ssyncadd.s32 $0xFFFFC000  }
0x22: {  	[spmem:s2] =	stream.indirect.scatter.add.f32 [tilespmem:s16], [sflag:$0x2], $0x80, s31, s15, $0xb8;
	[tilespmem:$0x1D000] =	vst v63  }
0x23: {  	_ =	swait.ge [sflag:s18], $0x4000  }
0x24: {  	s21 =	simm.s32 $0x400;
	s20 =	simm.s32 $0x80;
	[sflag:s18] =	ssyncset.done $0x0  }
.LBB2_2:
0x25: {  	s22 =	sadd.s32 $0x14000, s20  }
0x26: {  	[sflag:s18] =	ssyncadd.s32 $0xFFFFC000;
	s23 =	smov.u32 s21;
	s24 =	sadd.s32 $0x200, s21  }
0x27: {  	[tilespmem:s16], [sflag:$0x1] =	stream.indirect.gather [hbm4b:s7+s15], $0x80, s22, s15, $0xb8;
	[tilespmem:$0x1D000] =	vst v63  }
0x28: {  	p0 =	sne.s32 s21, $0x9E00;
	_ =	swait.ge [sflag:s17], $0x4000  }
.Ltmp0:
0x29: {  	[sflag:s17] =	ssyncset.done $0x0;
	(pc) =	sbr.rel @p0 .LBB2_2-.Ltmp0, $4  }
0x2a: {  	s20 =	sadd.s32 $0x16800, s20;
	[sflag:s17] =	ssyncadd.s32 $0xFFFFC000  }
0x2b: {  	[spmem:s2] =	stream.indirect.scatter.add.f32 [tilespmem:s16], [sflag:$0x2], $0x80, s20, s15, $0xb8;
	[tilespmem:$0x1D000] =	vst v63  }
0x2c: {  	_ =	swait.ge [sflag:s18], $0x4000  }
0x2d: {  	s21 =	smov.u32 s24;
	s20 =	sshra.s32 s23, $0x2;
	[sflag:s18] =	ssyncset.done $0x0  }
0x2e: {  	s21 =	sadd.s32 $0x14000, s20;
	[sflag:s18] =	ssyncadd.s32 $0xFFFFC000  }
0x2f: {  	[tilespmem:s16], [sflag:$0x1] =	stream.indirect.gather [hbm4b:s7+s15], $0x80, s21, s15, $0xb8;
	[tilespmem:$0x1D000] =	vst v63  }
0x30: {  	_ =	swait.ge [sflag:s17], $0x4000  }
0x31: {  	[sflag:s17] =	ssyncset.done $0x0  }
0x32: {  	s31 =	sadd.s32 $0x16800, s20;
	[sflag:s17] =	ssyncadd.s32 $0xFFFFC000  }
0x33: {  	[spmem:s2] =	stream.indirect.scatter.add.f32 [tilespmem:s16], [sflag:$0x2], $0x80, s31, s15, $0xb8;
	[tilespmem:$0x1D000] =	vst v63  }
0x34: {  	_ =	swait.ge [sflag:s18], $0x4000  }
0x35: {  	s19 =	sadd.s32 $0x1, s19;
	[sflag:s18] =	ssyncset.done $0x0  }
0x36: {  	p0 =	sne.s32 s19, s9;
	[sflag:s18] =	ssyncadd.s32 $0xFFFFC000  }
.Ltmp1:
0x37: {  	[bflag:$0x0] =	sbarrier.arrive $0xFFFF;
	(pc) =	sbr.rel @p0 .LBB2_1-.Ltmp1, $4  }
0x38: {  	[hbm:s8], [sflag:s13] =	dma.local [spmem:s14], $0x2800  }
0x39: {  	_ =	swait.ge [sflag:s11], $0x2800  }
0x3a: {  	[sflag:s11] =	ssyncset.done $0x0  }
0x3b: {  	[sflag:s11] =	ssyncadd.s32 $0xFFFFD800  }
0x3c: {  	_ =	sfence.sel $0x180000  }
0x3d: {  	[bflag:$0x0] =	sbarrier.arrive $0xFFFF  }
0x3e: {  	p0 =	sne.s32 s0, $0x0;
	_ =	strace $0x90000047  }
0x3f: {  	s0 =	sadd.s32 @!p0 $0x100000, s1;
	[bflag:$0x2] =	sbarrier.arrive $0xFFFF  }
0x40: {  	[sflag:s0] =	ssyncadd.tile.s32 @!p0 $0x1;
	_ =	shalt  }
.Lfunc_end2:
_tile_overlayer_lowered:
.L_overlay_start_2:
0x41: {  	(tag) =	ssettag $0x2  }
0x42: {  	s0 =	rddreg [dreg:$0x0];
	s2 =	stileid.u32  }
0x43: {  	s1 =	rddreg [dreg:$0x1];
	p0 =	sne.s32 s2, $0x0  }
0x44: {  	s3 =	rddreg [dreg:$0x2];
	[bflag:$0x3] =	sbarrier.arrive $0xFFFF;
	s2 =	simm.s32 @!p0 $0x1C03  }
0x45: {  	[timem:s3], [sflag:s2] =	dma.local @!p0 [hbm:s0], s1  }
0x46: {  	s0 =	simm.s32 @!p0 $0x3  }
0x47: {  	_ =	swait.ge @!p0 [sflag:s0], s1  }
0x48: {  	s1 =	ssub.s32 @!p0 $0x0, s1;
	[sflag:s0] =	ssyncset.done @!p0 $0x0  }
0x49: {  	[sflag:s0] =	ssyncadd.s32 @!p0 s1  }
0x4a: {  	[bflag:$0x3] =	sbarrier.arrive $0xFFFF  }
0x4b: {  	_ =	shalt  }

// kernel: kernel.16.cloned.1.call-start
scs
__scs_entry_jumppad:
0x0: {  	(pc) =	sbr.rel $0x88, $3  }
0x1: {  	(tag) =	ssettag $0x0;
	lr =	simm.s32 $0x1  }
0x2: {  	[smem:$0x3F96] =	sst lr;
	_ =	strace $0xD0000000  }
0x3: {  	_ = 	snop  }
0x4: {  	_ = 	snop  }
0x5: {  	_ = 	snop  }
0x6: {  	_ = 	snop  }
0x7: {  	_ = 	snop  }
__scs_overlays_trampoline_lowered:
0x8: {  	[smem:$0x3FA5] =	sst s0  }
0x9: {  	[smem:$0x3FA6] =	sst s1  }
0xa: {  	[smem:$0x3FA7] =	sst s2  }
0xb: {  	[smem:$0x3FA8] =	sst s3  }
0xc: {  	[smem:$0x3FA9] =	sst s4  }
0xd: {  	[smem:$0x3FAA] =	sst s5  }
0xe: {  	[smem:$0x3FAB] =	sst s6  }
0xf: {  	[smem:$0x3FAC] =	sst s7  }
0x10: {  	[smem:$0x3FAD] =	sst s8  }
0x11: {  	[smem:$0x3FAE] =	sst s9;
	s0 =	simm.s32 @!p0 $0x0  }
0x12: {  	s1 =	sld [smem:$0x3F94];
	s0 =	simm.s32 @p0 $0x1  }
0x13: {  	[smem:$0x3FAF] =	sst s0;
	s0 =	simm.s32 @!p1 $0x0  }
0x14: {  	s2 =	sld [smem:$0x3F93];
	s0 =	simm.s32 @p1 $0x1  }
0x15: {  	[smem:$0x3FB0] =	sst s0;
	s0 =	simm.s32 @!p2 $0x0  }
0x16: {  	s3 =	sld [smem:$0x3FDB];
	s0 =	simm.s32 @p2 $0x1  }
0x17: {  	s4 =	simm.s32 $0x1BF5;
	[smem:$0x3FB2] =	sst s0  }
0x18: {  	s0 =	sld [smem:$0x3F95];
	_ =	swait.ge [sflag:s4], $0x0  }
0x19: {  	s7 =	sld [smem:$0x3F96]  }
0x1a: {  	s8 =	sadd.s32 $0xFFFFE003, lr  }
0x1b: {  	s9 =	sadd.s32 $0xFFFFFEF7, lr;
	s5 =	simm.s32 $0xFFFFFFFF;
	p2 =	slt.u32 s8, $0xFFFFF086  }
0x1c: {  	p1 =	slt.u32 s9, $0xF7A;
	s5 =	simm.s32 @!p2 $0x0  }
0x1d: {  	s5 =	simm.s32 @p1 $0x1;
	p0 =	seq.s32 s7, s2  }
0x1e: {  	s7 =	smul.u32 @!p0 $0xF7A, s2;
	p2 =	seq.s32 @!p0 s5, $0x0  }
0x1f: {  	s9 =	smul.u32 $0xF7A, s1;
	s8 =	simm.s32 @!p0 $0x1BF5;
	p2 =	por !p2, p0  }
0x20: {  	[sflag:s8] =	ssyncset.s32 @!p0 $0xFFFFF086;
	s6 =	sadd.s32 @!p0 s3, s7;
	s7 =	simm.s32 @!p0 $0x108  }
0x21: {  	s3 =	sadd.s32 s3, s9;
	s6 =	sadd.s32 @!p0 $0x88, s6;
	s7 =	simm.s32 @p2 $0x1082  }
0x22: {  	[simem:s7], [sflag:s8] =	dma.local @!p0 [hbm:s6], $0xF7A  }
0x23: {  	s9 =	sor.u32 $0xD0000000, s2;
	s6 =	simm.s32 $0x108;
	_ =	swait.ge @!p0 [sflag:s8], $0x0  }
0x24: {  	s3 =	sadd.s32 $0x88, s3;
	s6 =	simm.s32 @!p1 $0x1082;
	[sflag:s4] =	ssyncset.s32 $0xFFFFF086  }
0x25: {  	[simem:s6], [sflag:s4] =	dma.local [hbm:s3], $0xF7A  }
0x26: {  	[smem:$0x3F96] =	sst s1;
	(tag) =	ssettag s2;
	_ =	strace s9  }
0x27: {  	s1 =	sld [smem:$0x3FA6]  }
0x28: {  	s2 =	sld [smem:$0x3FA7]  }
0x29: {  	s4 =	sld [smem:$0x3FA9]  }
0x2a: {  	p0 =	seq.s32 s5, $0x0;
	s5 =	sld [smem:$0x3FAA]  }
0x2b: {  	s6 =	sld [smem:$0x3FAB]  }
0x2c: {  	s7 =	sld [smem:$0x3FAC]  }
0x2d: {  	s3 =	simm.s32 $0x108;
	s8 =	sld [smem:$0x3FAD]  }
0x2e: {  	s3 =	simm.s32 @!p0 $0x1082;
	s9 =	sld [smem:$0x3FAE]  }
0x2f: {  	lr =	sadd.s32 s0, s3;
	s0 =	sld [smem:$0x3FA5]  }
0x30: {  	s3 =	sld [smem:$0x3FA8]  }
0x31: {  	[smem:$0x3FB1] =	sst s10  }
0x32: {  	s10 =	sld [smem:$0x3FAF];
	_ =	sdelay $0x3  }
0x33: {  	p0 =	seq.s32 s10, $0x1;
	s10 =	sld [smem:$0x3FB1];
	_ =	sdelay $0x3  }
0x34: {  	[smem:$0x3FB1] =	sst s10  }
0x35: {  	s10 =	sld [smem:$0x3FB0];
	_ =	sdelay $0x3  }
0x36: {  	p1 =	seq.s32 s10, $0x1;
	s10 =	sld [smem:$0x3FB1];
	_ =	sdelay $0x3  }
0x37: {  	[smem:$0x3FB1] =	sst s10  }
0x38: {  	s10 =	sld [smem:$0x3FB2]  }
0x39: {  	_ = 	snop;
	(pc) =	sbr.ind lr, $3  }
0x3a: {  	_ = 	snop  }
0x3b: {  	_ = 	snop  }
0x3c: {  	p2 =	seq.s32 s10, $0x1;
	s10 =	sld [smem:$0x3FB1]  }
0x3d: {  	_ =	shalt  }
0x3e: {  	_ =	shalt  }
0x3f: {  	_ =	shalt  }
0x40: {  	_ =	shalt  }
0x41: {  	_ =	shalt  }
0x42: {  	_ =	shalt  }
0x43: {  	_ =	shalt  }
0x44: {  	_ =	shalt  }
0x45: {  	_ =	shalt  }
0x46: {  	_ =	shalt  }
0x47: {  	_ =	shalt  }
0x48: {  	_ =	shalt  }
0x49: {  	_ =	shalt  }
0x4a: {  	_ =	shalt  }
0x4b: {  	_ =	shalt  }
0x4c: {  	_ =	shalt  }
0x4d: {  	_ =	shalt  }
0x4e: {  	_ =	shalt  }
0x4f: {  	_ =	shalt  }
0x50: {  	_ =	shalt  }
0x51: {  	_ =	shalt  }
0x52: {  	_ =	shalt  }
0x53: {  	_ =	shalt  }
0x54: {  	_ =	shalt  }
0x55: {  	_ =	shalt  }
0x56: {  	_ =	shalt  }
0x57: {  	_ =	shalt  }
0x58: {  	_ =	shalt  }
0x59: {  	_ =	shalt  }
0x5a: {  	_ =	shalt  }
0x5b: {  	_ =	shalt  }
0x5c: {  	_ =	shalt  }
0x5d: {  	_ =	shalt  }
0x5e: {  	_ =	shalt  }
0x5f: {  	_ =	shalt  }
0x60: {  	_ =	shalt  }
0x61: {  	_ =	shalt  }
0x62: {  	_ =	shalt  }
0x63: {  	_ =	shalt  }
0x64: {  	_ =	shalt  }
0x65: {  	_ =	shalt  }
0x66: {  	_ =	shalt  }
0x67: {  	_ =	shalt  }
0x68: {  	_ =	shalt  }
0x69: {  	_ =	shalt  }
0x6a: {  	_ =	shalt  }
0x6b: {  	_ =	shalt  }
0x6c: {  	_ =	shalt  }
0x6d: {  	_ =	shalt  }
0x6e: {  	_ =	shalt  }
0x6f: {  	_ =	shalt  }
0x70: {  	_ =	shalt  }
0x71: {  	_ =	shalt  }
0x72: {  	_ =	shalt  }
0x73: {  	_ =	shalt  }
0x74: {  	_ =	shalt  }
0x75: {  	_ =	shalt  }
0x76: {  	_ =	shalt  }
0x77: {  	_ =	shalt  }
0x78: {  	_ =	shalt  }
0x79: {  	_ =	shalt  }
0x7a: {  	_ =	shalt  }
0x7b: {  	_ =	shalt  }
0x7c: {  	_ =	shalt  }
0x7d: {  	_ =	shalt  }
0x7e: {  	_ =	shalt  }
0x7f: {  	_ =	shalt  }
0x80: {  	_ =	shalt  }
0x81: {  	_ =	shalt  }
0x82: {  	_ =	shalt  }
0x83: {  	_ =	shalt  }
0x84: {  	_ =	shalt  }
0x85: {  	_ =	shalt  }
0x86: {  	_ =	shalt  }
0x87: {  	_ =	shalt  }
.Lfunc_end0:
.L_simem_size_0:
called_computation.2_lowered:
.L_overlay_start_0:
0x88: {  	s2 =	sld [smem:$0x3FD9]  }
0x89: {  	s3 =	sld [smem:$0x3FFE];
	_ =	sdelay $0x1  }
0x8a: {  	s1 =	srdreg.scid  }
0x8b: {  	s0 =	sand.u32 $0x1, s1  }
0x8c: {  	s17 =	sshll.u32 s0, $0xA;
	s2 =	sadd.s32 s3, s2  }
0x8d: {  	s2 =	sadd.s32 s2, s17  }
0x8e: {  	[smem:$0x3FBD] =	sst s2  }
0x8f: {  	_ = 	snop  }
0x90: {  	s2 =	sld [smem:$0x3FD0];
	(tm) =	ssettm $0x1  }
0x91: {  	s18 =	sld [smem:$0x3FFB];
	_ =	sdelay $0x3  }
0x92: {  	_ =	strace s18  }
0x93: {  	s3 =	sld [smem:$0x3FFC];
	_ =	sdelay $0x3  }
0x94: {  	_ =	strace s3  }
0x95: {  	s3 =	sld [smem:$0x3FFD];
	_ =	sdelay $0x3  }
0x96: {  	_ =	strace s3  }
0x97: {  	_ =	strace $0x8FFFFFFF  }
0x98: {  	s19 =	sld [smem:$0x3FDB];
	_ =	sdelay $0x1  }
0x99: {  	s4 =	simm.s32 $_scs_section_size  }
0x9a: {  	s5 =	simm.s32 $_size__tile_overlayer_lowered;
	s6 =	simm.s32 $_tile_overlayer_lowered  }
0x9b: {  	s22 =	simm.s32 $0x1BFF;
	s21 =	sshll.u32 s6, $0x1;
	s3 =	sadd.s32 s4, s19  }
0x9c: {  	s7 =	simm.s32 $0x0;
	s20 =	sshll.u32 s5, $0x1;
	s5 =	sadd.s32 s21, s3  }
0x9d: {  	[timem:s7], [sflag:s22] =	dma.local [hbm:s5], s20  }
0x9e: {  	_ =	swait.ge [sflag:s22], s20  }
0x9f: {  	s4 =	ssub.s32 $0x0, s20;
	[sflag:s22] =	ssyncset.done $0x0  }
0xa0: {  	[sflag:s22] =	ssyncadd.s32 s4;
	_ =	sdelay $0x1  }
0xa1: {  	s23 =	simm.s32 $0x1B8B  }
0xa2: {  	_ =	swait.ge [sflag:s23], $0x1  }
0xa3: {  	[sflag:s23] =	ssyncset.done $0x0  }
0xa4: {  	s25 =	simm.s32 $0x1B8E;
	s24 =	sld [smem:$0x3FFE];
	[sflag:s23] =	ssyncadd.s32 $0xFFFFFFFF  }
0xa5: {  	s26 =	simm.s32 $execute0_lowered;
	[smem:$0x3FD2] =	sst s25  }
0xa6: {  	s5 =	sshll.u32 s26, $0x1;
	_ =	strace $0x8000004C;
	[dreg:$0x1] =	wrdreg $0xFFFFFFFF  }
0xa7: {  	s28 =	simm.s32 $_size_execute0_lowered;
	s3 =	sadd.s32 s3, s5;
	[dreg:$0x0] =	wrdreg $0x0  }
0xa8: {  	s5 =	sshll.u32 s28, $0x1;
	[dreg:$0x2] =	wrdreg s3  }
0xa9: {  	[dreg:$0x3] =	wrdreg s5  }
0xaa: {  	[dreg:$0x4] =	wrdreg $0xC0  }
0xab: {  	_ =	task [dreg:s7], $0x5FFFF  }
0xac: {  	[dreg:$0x1] =	wrdreg $0xFFFFFFFF  }
0xad: {  	[dreg:$0x0] =	wrdreg $0x60  }
0xae: {  	[dreg:$0x2] =	wrdreg s24  }
0xaf: {  	[dreg:$0x3] =	wrdreg s2  }
0xb0: {  	[dreg:$0x4] =	wrdreg $0x0  }
0xb1: {  	[dreg:$0x5] =	wrdreg $0x9  }
0xb2: {  	_ =	task.clear_ibuf [dreg:s7], $0x6FFFF;
	_ =	strace $0x9000004C  }
0xb3: {  	s29 =	simm.s32 $0x9;
	_ =	strace $0x8000004E  }
0xb4: {  	_ =	swait.ge [sflag:s29], $0x1  }
0xb5: {  	[sflag:s29] =	ssyncadd.s32 $0xFFFFFFFF  }
0xb6: {  	_ =	strace $0x9000004E  }
0xb7: {  	_ =	sfence  }
0xb8: {  	s30 =	sld [smem:$0x0];
	_ =	sdelay $0x2  }
0xb9: {  	s31 =	sshll.u32 s1, $0xD;
	s1 =	sshrl.u32 s1, $0x2  }
0xba: {  	s3 =	sand.u32 $0x4000, s31;
	s1 =	sadd.s32 s1, s30  }
0xbb: {  	s0 =	sor.u32 s3, s0;
	s1 =	sshll.u32 s1, $0x11  }
0xbc: {  	s0 =	sor.u32 s1, s0  }
0xbd: {  	s0 =	sadd.s32 $0x8F2B, s0  }
0xbe: {  	[sflag:s0] =	ssyncadd.remote.s32 $0x1  }
0xbf: {  	_ =	sfence.sel $0xFFFF  }
0xc0: {  	[dreg:$0x0] =	wrdreg $0xFFFFFFFF;
	(pc) =	sbr.abs _section_cstart, $3  }
0xc1: {  	[dreg:$0x1] =	wrdreg $0xFFFFFFFF  }
0xc2: {  	_ =	task.clear_ibuf [dreg:s7], $0x2FFFF;
	_ =	strace $0x9FFFFFFF  }
0xc3: {  	(tm) =	ssettm $0x7FFFFFFF  }
tec
execute0_lowered:
.L_overlay_start_1:
0x0: {  	(tag) =	ssettag $0x1  }
0x1: {  	s5 =	rddreg [dreg:$0x0]  }
0x2: {  	s1 =	srdreg.scid;
	s6 =	rddreg [dreg:$0x1]  }
0x3: {  	s0 =	stileid.u32;
	s2 =	rddreg [dreg:$0x2]  }
0x4: {  	s3 =	simm.s32 $0x0;
	s15 =	simm.s32 $0x80;
	s16 =	simm.s32 $0x19000  }
0x5: {  	s17 =	simm.s32 $0x1;
	s18 =	simm.s32 $0x2;
	s10 =	smul.u32 $0x14000, s0  }
0x6: {  	s19 =	simm.s32 $0x0;
	s4 =	sand.u32 $0x1, s1;
	s13 =	smul.u32 $0x50000, s0  }
0x7: {  	s28 =	sshll.u32 s0, $0x1;
	[smem:$0x7FF] =	sst s3;
	s7 =	smul.u32 $0x28000, s4  }
0x8: {  	s31 =	sshll.u32 s0, $0x6;
	s1 =	sor.u32 s4, s28;
	s9 =	smul.u32 $0x140000, s4  }
0x9: {  	s29 =	ssub.s32 $0x2, s4;
	s4 =	sadd.s32 $0x5CC00, s5;
	s8 =	smul.u32 $0x500, s1  }
0xa: {  	s1 =	rddreg [dreg:$0x3];
	_ =	strace $0x8000004D;
	s12 =	sshrl.u32 s29, $0x1  }
0xb: {  	s30 =	sshrl.u32 s13, $0x2;
	s13 =	sor.u32 $0x1C03, s31;
	s7 =	sadd.s32 s7, s5  }
0xc: {  	s9 =	sadd.s32 s10, s9;
	s10 =	ssub.s32 s29, s12;
	s14 =	sadd.s32 s30, s2  }
0xd: {  	s12 =	simm.s32 $0x16800;
	s11 =	sadd.s32 s8, s5;
	s9 =	sshrl.u32 s9, $0x3  }
0xe: {  	s6 =	sadd.s32 s6, s8;
	s7 =	sadd.s32 $0xCC00, s7;
	s14 =	sshrl.u32 s14, $0x3  }
0xf: {  	s9 =	sadd.s32 s9, s5;
	s5 =	sadd.s32 $0x2C00, s11;
	s11 =	simm.s32 $0x3  }
0x10: {  	s8 =	sadd.s32 $0x5F400, s9;
	s9 =	smax.u32 s10, $0x1;
	s10 =	simm.s32 $0x14000  }
.LBB2_1:
0x11: {  	[tilespmem:s10], [sflag:$0x3] =	stream.linear.gather [hbm4b:s5+s3], $0x2800, $0x38;
	[tilespmem:$0x1D000] =	vst v63  }
0x12: {  	_ =	swait.ge [sflag:s11], $0x2800  }
0x13: {  	[sflag:s11] =	ssyncset.done $0x0  }
0x14: {  	[sflag:s11] =	ssyncadd.s32 $0xFFFFD800  }
0x15: {  	[tilespmem:s12], [sflag:$0x3] =	stream.linear.gather [hbm4b:s6+s3], $0x2800, $0x38;
	[tilespmem:$0x1D000] =	vst v63  }
0x16: {  	_ =	swait.ge [sflag:s11], $0x2800  }
0x17: {  	[sflag:s11] =	ssyncset.done $0x0  }
0x18: {  	[sflag:s11] =	ssyncadd.s32 $0xFFFFD800  }
0x19: {  	[spmem:s14], [sflag:s13] =	dma.local [hbm:s4], $0x2800  }
0x1a: {  	_ =	swait.ge [sflag:s11], $0x2800  }
0x1b: {  	[sflag:s11] =	ssyncset.done $0x0  }
0x1c: {  	[sflag:s11] =	ssyncadd.s32 $0xFFFFD800  }
0x1d: {  	s20 =	simm.s32 $0x14000;
	[bflag:$0x0] =	sbarrier.arrive $0xFFFF  }
0x1e: {  	[tilespmem:s16], [sflag:$0x1] =	stream.indirect.gather [hbm4b:s7+s15], $0x80, s20, s15, $0xb8;
	[tilespmem:$0x1D000] =	vst v63  }
0x1f: {  	_ =	swait.ge [sflag:s17], $0x4000  }
0x20: {  	[sflag:s17] =	ssyncset.done $0x0  }
0x21: {  	s31 =	simm.s32 $0x16800;
	[sflag:s17] =	ssyncadd.s32 $0xFFFFC000  }
0x22: {  	[spmem:s2] =	stream.indirect.scatter.add.f32 [tilespmem:s16], [sflag:$0x2], $0x80, s31, s15, $0xb8;
	[tilespmem:$0x1D000] =	vst v63  }
0x23: {  	_ =	swait.ge [sflag:s18], $0x4000  }
0x24: {  	s21 =	simm.s32 $0x400;
	s20 =	simm.s32 $0x80;
	[sflag:s18] =	ssyncset.done $0x0  }
.LBB2_2:
0x25: {  	s22 =	sadd.s32 $0x14000, s20  }
0x26: {  	[sflag:s18] =	ssyncadd.s32 $0xFFFFC000;
	s23 =	smov.u32 s21;
	s24 =	sadd.s32 $0x200, s21  }
0x27: {  	[tilespmem:s16], [sflag:$0x1] =	stream.indirect.gather [hbm4b:s7+s15], $0x80, s22, s15, $0xb8;
	[tilespmem:$0x1D000] =	vst v63  }
0x28: {  	p0 =	sne.s32 s21, $0x9E00;
	_ =	swait.ge [sflag:s17], $0x4000  }
.Ltmp0:
0x29: {  	[sflag:s17] =	ssyncset.done $0x0;
	(pc) =	sbr.rel @p0 .LBB2_2-.Ltmp0, $4  }
0x2a: {  	s20 =	sadd.s32 $0x16800, s20;
	[sflag:s17] =	ssyncadd.s32 $0xFFFFC000  }
0x2b: {  	[spmem:s2] =	stream.indirect.scatter.add.f32 [tilespmem:s16], [sflag:$0x2], $0x80, s20, s15, $0xb8;
	[tilespmem:$0x1D000] =	vst v63  }
0x2c: {  	_ =	swait.ge [sflag:s18], $0x4000  }
0x2d: {  	s21 =	smov.u32 s24;
	s20 =	sshra.s32 s23, $0x2;
	[sflag:s18] =	ssyncset.done $0x0  }
0x2e: {  	s21 =	sadd.s32 $0x14000, s20;
	[sflag:s18] =	ssyncadd.s32 $0xFFFFC000  }
0x2f: {  	[tilespmem:s16], [sflag:$0x1] =	stream.indirect.gather [hbm4b:s7+s15], $0x80, s21, s15, $0xb8;
	[tilespmem:$0x1D000] =	vst v63  }
0x30: {  	_ =	swait.ge [sflag:s17], $0x4000  }
0x31: {  	[sflag:s17] =	ssyncset.done $0x0  }
0x32: {  	s31 =	sadd.s32 $0x16800, s20;
	[sflag:s17] =	ssyncadd.s32 $0xFFFFC000  }
0x33: {  	[spmem:s2] =	stream.indirect.scatter.add.f32 [tilespmem:s16], [sflag:$0x2], $0x80, s31, s15, $0xb8;
	[tilespmem:$0x1D000] =	vst v63  }
0x34: {  	_ =	swait.ge [sflag:s18], $0x4000  }
0x35: {  	s19 =	sadd.s32 $0x1, s19;
	[sflag:s18] =	ssyncset.done $0x0  }
0x36: {  	p0 =	sne.s32 s19, s9;
	[sflag:s18] =	ssyncadd.s32 $0xFFFFC000  }
.Ltmp1:
0x37: {  	[bflag:$0x0] =	sbarrier.arrive $0xFFFF;
	(pc) =	sbr.rel @p0 .LBB2_1-.Ltmp1, $4  }
0x38: {  	[hbm:s8], [sflag:s13] =	dma.local [spmem:s14], $0x2800  }
0x39: {  	_ =	swait.ge [sflag:s11], $0x2800  }
0x3a: {  	[sflag:s11] =	ssyncset.done $0x0  }
0x3b: {  	[sflag:s11] =	ssyncadd.s32 $0xFFFFD800  }
0x3c: {  	_ =	sfence.sel $0x180000  }
0x3d: {  	[bflag:$0x0] =	sbarrier.arrive $0xFFFF  }
0x3e: {  	p0 =	sne.s32 s0, $0x0;
	_ =	strace $0x9000004D  }
0x3f: {  	s0 =	sadd.s32 @!p0 $0x100000, s1;
	[bflag:$0x2] =	sbarrier.arrive $0xFFFF  }
0x40: {  	[sflag:s0] =	ssyncadd.tile.s32 @!p0 $0x1;
	_ =	shalt  }
.Lfunc_end2:
_tile_overlayer_lowered:
.L_overlay_start_2:
0x41: {  	(tag) =	ssettag $0x2  }
0x42: {  	s0 =	rddreg [dreg:$0x0];
	s2 =	stileid.u32  }
0x43: {  	s1 =	rddreg [dreg:$0x1];
	p0 =	sne.s32 s2, $0x0  }
0x44: {  	s3 =	rddreg [dreg:$0x2];
	[bflag:$0x3] =	sbarrier.arrive $0xFFFF;
	s2 =	simm.s32 @!p0 $0x1C03  }
0x45: {  	[timem:s3], [sflag:s2] =	dma.local @!p0 [hbm:s0], s1  }
0x46: {  	s0 =	simm.s32 @!p0 $0x3  }
0x47: {  	_ =	swait.ge @!p0 [sflag:s0], s1  }
0x48: {  	s1 =	ssub.s32 @!p0 $0x0, s1;
	[sflag:s0] =	ssyncset.done @!p0 $0x0  }
0x49: {  	[sflag:s0] =	ssyncadd.s32 @!p0 s1  }
0x4a: {  	[bflag:$0x3] =	sbarrier.arrive $0xFFFF  }
0x4b: {  	_ =	shalt  }

// kernel: kernel.19.cloned.1.call-start
scs
__scs_entry_jumppad:
0x0: {  	(pc) =	sbr.rel $0x88, $3  }
0x1: {  	(tag) =	ssettag $0x0;
	lr =	simm.s32 $0x1  }
0x2: {  	[smem:$0x3F96] =	sst lr;
	_ =	strace $0xD0000000  }
0x3: {  	_ = 	snop  }
0x4: {  	_ = 	snop  }
0x5: {  	_ = 	snop  }
0x6: {  	_ = 	snop  }
0x7: {  	_ = 	snop  }
__scs_overlays_trampoline_lowered:
0x8: {  	[smem:$0x3FA5] =	sst s0  }
0x9: {  	[smem:$0x3FA6] =	sst s1  }
0xa: {  	[smem:$0x3FA7] =	sst s2  }
0xb: {  	[smem:$0x3FA8] =	sst s3  }
0xc: {  	[smem:$0x3FA9] =	sst s4  }
0xd: {  	[smem:$0x3FAA] =	sst s5  }
0xe: {  	[smem:$0x3FAB] =	sst s6  }
0xf: {  	[smem:$0x3FAC] =	sst s7  }
0x10: {  	[smem:$0x3FAD] =	sst s8  }
0x11: {  	[smem:$0x3FAE] =	sst s9;
	s0 =	simm.s32 @!p0 $0x0  }
0x12: {  	s1 =	sld [smem:$0x3F94];
	s0 =	simm.s32 @p0 $0x1  }
0x13: {  	[smem:$0x3FAF] =	sst s0;
	s0 =	simm.s32 @!p1 $0x0  }
0x14: {  	s2 =	sld [smem:$0x3F93];
	s0 =	simm.s32 @p1 $0x1  }
0x15: {  	[smem:$0x3FB0] =	sst s0;
	s0 =	simm.s32 @!p2 $0x0  }
0x16: {  	s3 =	sld [smem:$0x3FDB];
	s0 =	simm.s32 @p2 $0x1  }
0x17: {  	s4 =	simm.s32 $0x1BF5;
	[smem:$0x3FB2] =	sst s0  }
0x18: {  	s0 =	sld [smem:$0x3F95];
	_ =	swait.ge [sflag:s4], $0x0  }
0x19: {  	s7 =	sld [smem:$0x3F96]  }
0x1a: {  	s8 =	sadd.s32 $0xFFFFE003, lr  }
0x1b: {  	s9 =	sadd.s32 $0xFFFFFEF7, lr;
	s5 =	simm.s32 $0xFFFFFFFF;
	p2 =	slt.u32 s8, $0xFFFFF086  }
0x1c: {  	p1 =	slt.u32 s9, $0xF7A;
	s5 =	simm.s32 @!p2 $0x0  }
0x1d: {  	s5 =	simm.s32 @p1 $0x1;
	p0 =	seq.s32 s7, s2  }
0x1e: {  	s7 =	smul.u32 @!p0 $0xF7A, s2;
	p2 =	seq.s32 @!p0 s5, $0x0  }
0x1f: {  	s9 =	smul.u32 $0xF7A, s1;
	s8 =	simm.s32 @!p0 $0x1BF5;
	p2 =	por !p2, p0  }
0x20: {  	[sflag:s8] =	ssyncset.s32 @!p0 $0xFFFFF086;
	s6 =	sadd.s32 @!p0 s3, s7;
	s7 =	simm.s32 @!p0 $0x108  }
0x21: {  	s3 =	sadd.s32 s3, s9;
	s6 =	sadd.s32 @!p0 $0x88, s6;
	s7 =	simm.s32 @p2 $0x1082  }
0x22: {  	[simem:s7], [sflag:s8] =	dma.local @!p0 [hbm:s6], $0xF7A  }
0x23: {  	s9 =	sor.u32 $0xD0000000, s2;
	s6 =	simm.s32 $0x108;
	_ =	swait.ge @!p0 [sflag:s8], $0x0  }
0x24: {  	s3 =	sadd.s32 $0x88, s3;
	s6 =	simm.s32 @!p1 $0x1082;
	[sflag:s4] =	ssyncset.s32 $0xFFFFF086  }
0x25: {  	[simem:s6], [sflag:s4] =	dma.local [hbm:s3], $0xF7A  }
0x26: {  	[smem:$0x3F96] =	sst s1;
	(tag) =	ssettag s2;
	_ =	strace s9  }
0x27: {  	s1 =	sld [smem:$0x3FA6]  }
0x28: {  	s2 =	sld [smem:$0x3FA7]  }
0x29: {  	s4 =	sld [smem:$0x3FA9]  }
0x2a: {  	p0 =	seq.s32 s5, $0x0;
	s5 =	sld [smem:$0x3FAA]  }
0x2b: {  	s6 =	sld [smem:$0x3FAB]  }
0x2c: {  	s7 =	sld [smem:$0x3FAC]  }
0x2d: {  	s3 =	simm.s32 $0x108;
	s8 =	sld [smem:$0x3FAD]  }
0x2e: {  	s3 =	simm.s32 @!p0 $0x1082;
	s9 =	sld [smem:$0x3FAE]  }
0x2f: {  	lr =	sadd.s32 s0, s3;
	s0 =	sld [smem:$0x3FA5]  }
0x30: {  	s3 =	sld [smem:$0x3FA8]  }
0x31: {  	[smem:$0x3FB1] =	sst s10  }
0x32: {  	s10 =	sld [smem:$0x3FAF];
	_ =	sdelay $0x3  }
0x33: {  	p0 =	seq.s32 s10, $0x1;
	s10 =	sld [smem:$0x3FB1];
	_ =	sdelay $0x3  }
0x34: {  	[smem:$0x3FB1] =	sst s10  }
0x35: {  	s10 =	sld [smem:$0x3FB0];
	_ =	sdelay $0x3  }
0x36: {  	p1 =	seq.s32 s10, $0x1;
	s10 =	sld [smem:$0x3FB1];
	_ =	sdelay $0x3  }
0x37: {  	[smem:$0x3FB1] =	sst s10  }
0x38: {  	s10 =	sld [smem:$0x3FB2]  }
0x39: {  	_ = 	snop;
	(pc) =	sbr.ind lr, $3  }
0x3a: {  	_ = 	snop  }
0x3b: {  	_ = 	snop  }
0x3c: {  	p2 =	seq.s32 s10, $0x1;
	s10 =	sld [smem:$0x3FB1]  }
0x3d: {  	_ =	shalt  }
0x3e: {  	_ =	shalt  }
0x3f: {  	_ =	shalt  }
0x40: {  	_ =	shalt  }
0x41: {  	_ =	shalt  }
0x42: {  	_ =	shalt  }
0x43: {  	_ =	shalt  }
0x44: {  	_ =	shalt  }
0x45: {  	_ =	shalt  }
0x46: {  	_ =	shalt  }
0x47: {  	_ =	shalt  }
0x48: {  	_ =	shalt  }
0x49: {  	_ =	shalt  }
0x4a: {  	_ =	shalt  }
0x4b: {  	_ =	shalt  }
0x4c: {  	_ =	shalt  }
0x4d: {  	_ =	shalt  }
0x4e: {  	_ =	shalt  }
0x4f: {  	_ =	shalt  }
0x50: {  	_ =	shalt  }
0x51: {  	_ =	shalt  }
0x52: {  	_ =	shalt  }
0x53: {  	_ =	shalt  }
0x54: {  	_ =	shalt  }
0x55: {  	_ =	shalt  }
0x56: {  	_ =	shalt  }
0x57: {  	_ =	shalt  }
0x58: {  	_ =	shalt  }
0x59: {  	_ =	shalt  }
0x5a: {  	_ =	shalt  }
0x5b: {  	_ =	shalt  }
0x5c: {  	_ =	shalt  }
0x5d: {  	_ =	shalt  }
0x5e: {  	_ =	shalt  }
0x5f: {  	_ =	shalt  }
0x60: {  	_ =	shalt  }
0x61: {  	_ =	shalt  }
0x62: {  	_ =	shalt  }
0x63: {  	_ =	shalt  }
0x64: {  	_ =	shalt  }
0x65: {  	_ =	shalt  }
0x66: {  	_ =	shalt  }
0x67: {  	_ =	shalt  }
0x68: {  	_ =	shalt  }
0x69: {  	_ =	shalt  }
0x6a: {  	_ =	shalt  }
0x6b: {  	_ =	shalt  }
0x6c: {  	_ =	shalt  }
0x6d: {  	_ =	shalt  }
0x6e: {  	_ =	shalt  }
0x6f: {  	_ =	shalt  }
0x70: {  	_ =	shalt  }
0x71: {  	_ =	shalt  }
0x72: {  	_ =	shalt  }
0x73: {  	_ =	shalt  }
0x74: {  	_ =	shalt  }
0x75: {  	_ =	shalt  }
0x76: {  	_ =	shalt  }
0x77: {  	_ =	shalt  }
0x78: {  	_ =	shalt  }
0x79: {  	_ =	shalt  }
0x7a: {  	_ =	shalt  }
0x7b: {  	_ =	shalt  }
0x7c: {  	_ =	shalt  }
0x7d: {  	_ =	shalt  }
0x7e: {  	_ =	shalt  }
0x7f: {  	_ =	shalt  }
0x80: {  	_ =	shalt  }
0x81: {  	_ =	shalt  }
0x82: {  	_ =	shalt  }
0x83: {  	_ =	shalt  }
0x84: {  	_ =	shalt  }
0x85: {  	_ =	shalt  }
0x86: {  	_ =	shalt  }
0x87: {  	_ =	shalt  }
.Lfunc_end0:
.L_simem_size_0:
called_computation.3_lowered:
.L_overlay_start_0:
0x88: {  	s2 =	sld [smem:$0x3FD9]  }
0x89: {  	s3 =	sld [smem:$0x3FFE];
	_ =	sdelay $0x1  }
0x8a: {  	s1 =	srdreg.scid  }
0x8b: {  	s0 =	sand.u32 $0x1, s1  }
0x8c: {  	s17 =	sshll.u32 s0, $0xA;
	s2 =	sadd.s32 s3, s2  }
0x8d: {  	s2 =	sadd.s32 s2, s17  }
0x8e: {  	[smem:$0x3FBD] =	sst s2  }
0x8f: {  	_ = 	snop  }
0x90: {  	s2 =	sld [smem:$0x3FD0];
	(tm) =	ssettm $0x1  }
0x91: {  	s18 =	sld [smem:$0x3FFB];
	_ =	sdelay $0x3  }
0x92: {  	_ =	strace s18  }
0x93: {  	s3 =	sld [smem:$0x3FFC];
	_ =	sdelay $0x3  }
0x94: {  	_ =	strace s3  }
0x95: {  	s3 =	sld [smem:$0x3FFD];
	_ =	sdelay $0x3  }
0x96: {  	_ =	strace s3  }
0x97: {  	_ =	strace $0x8FFFFFFF  }
0x98: {  	s19 =	sld [smem:$0x3FDB];
	_ =	sdelay $0x1  }
0x99: {  	s4 =	simm.s32 $_scs_section_size  }
0x9a: {  	s5 =	simm.s32 $_size__tile_overlayer_lowered;
	s6 =	simm.s32 $_tile_overlayer_lowered  }
0x9b: {  	s22 =	simm.s32 $0x1BFF;
	s21 =	sshll.u32 s6, $0x1;
	s3 =	sadd.s32 s4, s19  }
0x9c: {  	s7 =	simm.s32 $0x0;
	s20 =	sshll.u32 s5, $0x1;
	s5 =	sadd.s32 s21, s3  }
0x9d: {  	[timem:s7], [sflag:s22] =	dma.local [hbm:s5], s20  }
0x9e: {  	_ =	swait.ge [sflag:s22], s20  }
0x9f: {  	s4 =	ssub.s32 $0x0, s20;
	[sflag:s22] =	ssyncset.done $0x0  }
0xa0: {  	[sflag:s22] =	ssyncadd.s32 s4;
	_ =	sdelay $0x1  }
0xa1: {  	s23 =	simm.s32 $0x1B8B  }
0xa2: {  	_ =	swait.ge [sflag:s23], $0x1  }
0xa3: {  	[sflag:s23] =	ssyncset.done $0x0  }
0xa4: {  	s25 =	simm.s32 $0x1B8E;
	s24 =	sld [smem:$0x3FFE];
	[sflag:s23] =	ssyncadd.s32 $0xFFFFFFFF  }
0xa5: {  	s26 =	simm.s32 $execute0_lowered;
	[smem:$0x3FD2] =	sst s25  }
0xa6: {  	s5 =	sshll.u32 s26, $0x1;
	_ =	strace $0x8000004F;
	[dreg:$0x1] =	wrdreg $0xFFFFFFFF  }
0xa7: {  	s28 =	simm.s32 $_size_execute0_lowered;
	s3 =	sadd.s32 s3, s5;
	[dreg:$0x0] =	wrdreg $0x0  }
0xa8: {  	s5 =	sshll.u32 s28, $0x1;
	[dreg:$0x2] =	wrdreg s3  }
0xa9: {  	[dreg:$0x3] =	wrdreg s5  }
0xaa: {  	[dreg:$0x4] =	wrdreg $0xC0  }
0xab: {  	_ =	task [dreg:s7], $0x5FFFF  }
0xac: {  	[dreg:$0x1] =	wrdreg $0xFFFFFFFF  }
0xad: {  	[dreg:$0x0] =	wrdreg $0x60  }
0xae: {  	[dreg:$0x2] =	wrdreg s24  }
0xaf: {  	[dreg:$0x3] =	wrdreg s2  }
0xb0: {  	[dreg:$0x4] =	wrdreg $0x0  }
0xb1: {  	[dreg:$0x5] =	wrdreg $0x9  }
0xb2: {  	_ =	task.clear_ibuf [dreg:s7], $0x6FFFF;
	_ =	strace $0x9000004F  }
0xb3: {  	s29 =	simm.s32 $0x9;
	_ =	strace $0x80000051  }
0xb4: {  	_ =	swait.ge [sflag:s29], $0x1  }
0xb5: {  	[sflag:s29] =	ssyncadd.s32 $0xFFFFFFFF  }
0xb6: {  	_ =	strace $0x90000051  }
0xb7: {  	_ =	sfence  }
0xb8: {  	s30 =	sld [smem:$0x0];
	_ =	sdelay $0x2  }
0xb9: {  	s31 =	sshll.u32 s1, $0xD;
	s1 =	sshrl.u32 s1, $0x2  }
0xba: {  	s3 =	sand.u32 $0x4000, s31;
	s1 =	sadd.s32 s1, s30  }
0xbb: {  	s0 =	sor.u32 s3, s0;
	s1 =	sshll.u32 s1, $0x11  }
0xbc: {  	s0 =	sor.u32 s1, s0  }
0xbd: {  	s0 =	sadd.s32 $0x8F2B, s0  }
0xbe: {  	[sflag:s0] =	ssyncadd.remote.s32 $0x1  }
0xbf: {  	_ =	sfence.sel $0xFFFF  }
0xc0: {  	[dreg:$0x0] =	wrdreg $0xFFFFFFFF;
	(pc) =	sbr.abs _section_cstart, $3  }
0xc1: {  	[dreg:$0x1] =	wrdreg $0xFFFFFFFF  }
0xc2: {  	_ =	task.clear_ibuf [dreg:s7], $0x2FFFF;
	_ =	strace $0x9FFFFFFF  }
0xc3: {  	(tm) =	ssettm $0x7FFFFFFF  }
tec
execute0_lowered:
.L_overlay_start_1:
0x0: {  	(tag) =	ssettag $0x1  }
0x1: {  	s5 =	rddreg [dreg:$0x0]  }
0x2: {  	s1 =	srdreg.scid;
	s6 =	rddreg [dreg:$0x1]  }
0x3: {  	s0 =	stileid.u32;
	s2 =	rddreg [dreg:$0x2]  }
0x4: {  	s3 =	simm.s32 $0x0;
	s15 =	simm.s32 $0x80;
	s16 =	simm.s32 $0x19000  }
0x5: {  	s17 =	simm.s32 $0x1;
	s18 =	simm.s32 $0x2;
	s10 =	smul.u32 $0x14000, s0  }
0x6: {  	s19 =	simm.s32 $0x0;
	s4 =	sand.u32 $0x1, s1;
	s13 =	smul.u32 $0x50000, s0  }
0x7: {  	s28 =	sshll.u32 s0, $0x1;
	[smem:$0x7FF] =	sst s3;
	s7 =	smul.u32 $0x28000, s4  }
0x8: {  	s31 =	sshll.u32 s0, $0x6;
	s1 =	sor.u32 s4, s28;
	s9 =	smul.u32 $0x140000, s4  }
0x9: {  	s29 =	ssub.s32 $0x2, s4;
	s4 =	sadd.s32 $0x5CC00, s5;
	s8 =	smul.u32 $0x500, s1  }
0xa: {  	s1 =	rddreg [dreg:$0x3];
	_ =	strace $0x80000050;
	s12 =	sshrl.u32 s29, $0x1  }
0xb: {  	s30 =	sshrl.u32 s13, $0x2;
	s13 =	sor.u32 $0x1C03, s31;
	s7 =	sadd.s32 s7, s5  }
0xc: {  	s9 =	sadd.s32 s10, s9;
	s10 =	ssub.s32 s29, s12;
	s14 =	sadd.s32 s30, s2  }
0xd: {  	s12 =	simm.s32 $0x16800;
	s11 =	sadd.s32 s8, s5;
	s9 =	sshrl.u32 s9, $0x3  }
0xe: {  	s6 =	sadd.s32 s6, s8;
	s7 =	sadd.s32 $0xCC00, s7;
	s14 =	sshrl.u32 s14, $0x3  }
0xf: {  	s9 =	sadd.s32 s9, s5;
	s5 =	sadd.s32 $0x2C00, s11;
	s11 =	simm.s32 $0x3  }
0x10: {  	s8 =	sadd.s32 $0x5F400, s9;
	s9 =	smax.u32 s10, $0x1;
	s10 =	simm.s32 $0x14000  }
.LBB2_1:
0x11: {  	[tilespmem:s10], [sflag:$0x3] =	stream.linear.gather [hbm4b:s5+s3], $0x2800, $0x38;
	[tilespmem:$0x1D000] =	vst v63  }
0x12: {  	_ =	swait.ge [sflag:s11], $0x2800  }
0x13: {  	[sflag:s11] =	ssyncset.done $0x0  }
0x14: {  	[sflag:s11] =	ssyncadd.s32 $0xFFFFD800  }
0x15: {  	[tilespmem:s12], [sflag:$0x3] =	stream.linear.gather [hbm4b:s6+s3], $0x2800, $0x38;
	[tilespmem:$0x1D000] =	vst v63  }
0x16: {  	_ =	swait.ge [sflag:s11], $0x2800  }
0x17: {  	[sflag:s11] =	ssyncset.done $0x0  }
0x18: {  	[sflag:s11] =	ssyncadd.s32 $0xFFFFD800  }
0x19: {  	[spmem:s14], [sflag:s13] =	dma.local [hbm:s4], $0x2800  }
0x1a: {  	_ =	swait.ge [sflag:s11], $0x2800  }
0x1b: {  	[sflag:s11] =	ssyncset.done $0x0  }
0x1c: {  	[sflag:s11] =	ssyncadd.s32 $0xFFFFD800  }
0x1d: {  	s20 =	simm.s32 $0x14000;
	[bflag:$0x0] =	sbarrier.arrive $0xFFFF  }
0x1e: {  	[tilespmem:s16], [sflag:$0x1] =	stream.indirect.gather [hbm4b:s7+s15], $0x80, s20, s15, $0xb8;
	[tilespmem:$0x1D000] =	vst v63  }
0x1f: {  	_ =	swait.ge [sflag:s17], $0x4000  }
0x20: {  	[sflag:s17] =	ssyncset.done $0x0  }
0x21: {  	s31 =	simm.s32 $0x16800;
	[sflag:s17] =	ssyncadd.s32 $0xFFFFC000  }
0x22: {  	[spmem:s2] =	stream.indirect.scatter.add.f32 [tilespmem:s16], [sflag:$0x2], $0x80, s31, s15, $0xb8;
	[tilespmem:$0x1D000] =	vst v63  }
0x23: {  	_ =	swait.ge [sflag:s18], $0x4000  }
0x24: {  	s21 =	simm.s32 $0x400;
	s20 =	simm.s32 $0x80;
	[sflag:s18] =	ssyncset.done $0x0  }
.LBB2_2:
0x25: {  	s22 =	sadd.s32 $0x14000, s20  }
0x26: {  	[sflag:s18] =	ssyncadd.s32 $0xFFFFC000;
	s23 =	smov.u32 s21;
	s24 =	sadd.s32 $0x200, s21  }
0x27: {  	[tilespmem:s16], [sflag:$0x1] =	stream.indirect.gather [hbm4b:s7+s15], $0x80, s22, s15, $0xb8;
	[tilespmem:$0x1D000] =	vst v63  }
0x28: {  	p0 =	sne.s32 s21, $0x9E00;
	_ =	swait.ge [sflag:s17], $0x4000  }
.Ltmp0:
0x29: {  	[sflag:s17] =	ssyncset.done $0x0;
	(pc) =	sbr.rel @p0 .LBB2_2-.Ltmp0, $4  }
0x2a: {  	s20 =	sadd.s32 $0x16800, s20;
	[sflag:s17] =	ssyncadd.s32 $0xFFFFC000  }
0x2b: {  	[spmem:s2] =	stream.indirect.scatter.add.f32 [tilespmem:s16], [sflag:$0x2], $0x80, s20, s15, $0xb8;
	[tilespmem:$0x1D000] =	vst v63  }
0x2c: {  	_ =	swait.ge [sflag:s18], $0x4000  }
0x2d: {  	s21 =	smov.u32 s24;
	s20 =	sshra.s32 s23, $0x2;
	[sflag:s18] =	ssyncset.done $0x0  }
0x2e: {  	s21 =	sadd.s32 $0x14000, s20;
	[sflag:s18] =	ssyncadd.s32 $0xFFFFC000  }
0x2f: {  	[tilespmem:s16], [sflag:$0x1] =	stream.indirect.gather [hbm4b:s7+s15], $0x80, s21, s15, $0xb8;
	[tilespmem:$0x1D000] =	vst v63  }
0x30: {  	_ =	swait.ge [sflag:s17], $0x4000  }
0x31: {  	[sflag:s17] =	ssyncset.done $0x0  }
0x32: {  	s31 =	sadd.s32 $0x16800, s20;
	[sflag:s17] =	ssyncadd.s32 $0xFFFFC000  }
0x33: {  	[spmem:s2] =	stream.indirect.scatter.add.f32 [tilespmem:s16], [sflag:$0x2], $0x80, s31, s15, $0xb8;
	[tilespmem:$0x1D000] =	vst v63  }
0x34: {  	_ =	swait.ge [sflag:s18], $0x4000  }
0x35: {  	s19 =	sadd.s32 $0x1, s19;
	[sflag:s18] =	ssyncset.done $0x0  }
0x36: {  	p0 =	sne.s32 s19, s9;
	[sflag:s18] =	ssyncadd.s32 $0xFFFFC000  }
.Ltmp1:
0x37: {  	[bflag:$0x0] =	sbarrier.arrive $0xFFFF;
	(pc) =	sbr.rel @p0 .LBB2_1-.Ltmp1, $4  }
0x38: {  	[hbm:s8], [sflag:s13] =	dma.local [spmem:s14], $0x2800  }
0x39: {  	_ =	swait.ge [sflag:s11], $0x2800  }
0x3a: {  	[sflag:s11] =	ssyncset.done $0x0  }
0x3b: {  	[sflag:s11] =	ssyncadd.s32 $0xFFFFD800  }
0x3c: {  	_ =	sfence.sel $0x180000  }
0x3d: {  	[bflag:$0x0] =	sbarrier.arrive $0xFFFF  }
0x3e: {  	p0 =	sne.s32 s0, $0x0;
	_ =	strace $0x90000050  }
0x3f: {  	s0 =	sadd.s32 @!p0 $0x100000, s1;
	[bflag:$0x2] =	sbarrier.arrive $0xFFFF  }
0x40: {  	[sflag:s0] =	ssyncadd.tile.s32 @!p0 $0x1;
	_ =	shalt  }
.Lfunc_end2:
_tile_overlayer_lowered:
.L_overlay_start_2:
0x41: {  	(tag) =	ssettag $0x2  }
0x42: {  	s0 =	rddreg [dreg:$0x0];
	s2 =	stileid.u32  }
0x43: {  	s1 =	rddreg [dreg:$0x1];
	p0 =	sne.s32 s2, $0x0  }
0x44: {  	s3 =	rddreg [dreg:$0x2];
	[bflag:$0x3] =	sbarrier.arrive $0xFFFF;
	s2 =	simm.s32 @!p0 $0x1C03  }
0x45: {  	[timem:s3], [sflag:s2] =	dma.local @!p0 [hbm:s0], s1  }
0x46: {  	s0 =	simm.s32 @!p0 $0x3  }
0x47: {  	_ =	swait.ge @!p0 [sflag:s0], s1  }
0x48: {  	s1 =	ssub.s32 @!p0 $0x0, s1;
	[sflag:s0] =	ssyncset.done @!p0 $0x0  }
0x49: {  	[sflag:s0] =	ssyncadd.s32 @!p0 s1  }
0x4a: {  	[bflag:$0x3] =	sbarrier.arrive $0xFFFF  }
0x4b: {  	_ =	shalt  }

</sc_bundles>
